<compile_context>
chip_gen: v7x
topology: tpu7x:2x2x1
jax: 0.10.2.dev20260603
libtpu: 0.0.44.dev20260713+nightly
codegen_flags: <defaults>
</compile_context>

<pallas_src>
import functools

import jax
import jax.numpy as jnp
from jax import lax
from jax.experimental import pallas as pl
from jax.experimental.pallas import tpu as pltpu
from jax.experimental.pallas import tpu_sc as plsc

N = 10000
D = 128
E = 320000

NC = 2
NS = 16
NW = NC * NS
CH = 128
K = 8
_CHUNKS_MIN = -(-(-(-E // NW)) // CH)
NCHUNK = -(-_CHUNKS_MIN // (2 * K)) * (2 * K)
EPT = NCHUNK * CH
EPAD = EPT * NW
RPT = 632
N_ACC = RPT * NS
DEG_W = 128

NCHUNK1 = NCHUNK * NC
NSUPER1 = NCHUNK1 // K

_mesh = plsc.VectorSubcoreMesh(
    core_axis_name="c", subcore_axis_name="s", num_cores=NC, num_subcores=NS)
_mesh1 = plsc.VectorSubcoreMesh(
    core_axis_name="c", subcore_axis_name="s", num_cores=1, num_subcores=NS)



def _deg_body(dst_hbm, ones_hbm, zeros_hbm, out0, out1, acc, dst_idx, ones_v):
    c = lax.axis_index("c")
    s = lax.axis_index("s")
    wid = c * NS + s
    pltpu.sync_copy(zeros_hbm, acc.at[pl.ds(s * RPT, RPT)])
    pltpu.sync_copy(ones_hbm, ones_v)
    pltpu.sync_copy(dst_hbm.at[wid], dst_idx)
    plsc.subcore_barrier()

    def body(j, carry):
        pltpu.sync_copy(ones_v, acc.at[dst_idx.at[j]], add=True)
        return carry

    lax.fori_loop(0, NCHUNK, body, 0)
    plsc.subcore_barrier()

    @pl.when(c == 0)
    def _():
        pltpu.sync_copy(acc.at[pl.ds(s * RPT, RPT)], out0.at[pl.ds(s * RPT, RPT)])

    @pl.when(c == 1)
    def _():
        pltpu.sync_copy(acc.at[pl.ds(s * RPT, RPT)], out1.at[pl.ds(s * RPT, RPT)])


_deg_call = pl.kernel(
    _deg_body,
    out_type=(jax.ShapeDtypeStruct((N_ACC, DEG_W), jnp.float32),
              jax.ShapeDtypeStruct((N_ACC, DEG_W), jnp.float32)),
    mesh=_mesh,
    scratch_types=[
        pltpu.VMEM_SHARED((N_ACC, DEG_W), jnp.float32),
        pltpu.VMEM((NCHUNK, CH), jnp.int32),
        pltpu.VMEM((CH, DEG_W), jnp.float32),
    ],
)


def _agg_body(g_hbm, src_hbm, dst_hbm, zeros_hbm, out0,
              acc, src_sb, dst_sb, rows, rs0):
    s = lax.axis_index("s")
    pltpu.sync_copy(zeros_hbm, acc.at[pl.ds(s * RPT, RPT)])
    plsc.subcore_barrier()

    def super_body(sc, carry):
        pltpu.sync_copy(src_hbm.at[s].at[pl.ds(sc * K, K)], src_sb)
        pltpu.sync_copy(dst_hbm.at[s].at[pl.ds(sc * K, K)], dst_sb)

        def body(j, carry2):
            pltpu.async_copy(g_hbm.at[src_sb.at[j]], rows, rs0).wait()
            pltpu.sync_copy(rows, acc.at[dst_sb.at[j]], add=True)
            return carry2

        return lax.fori_loop(0, K, body, carry)

    lax.fori_loop(0, NSUPER1, super_body, 0)
    plsc.subcore_barrier()
    pltpu.sync_copy(acc.at[pl.ds(s * RPT, RPT)], out0.at[pl.ds(s * RPT, RPT)])


_agg_call = pl.kernel(
    _agg_body,
    out_type=jax.ShapeDtypeStruct((N_ACC, D), jnp.float32),
    mesh=_mesh1,
    scratch_types=[
        pltpu.VMEM_SHARED((N_ACC, D), jnp.float32),
        pltpu.VMEM((K, CH), jnp.int32),
        pltpu.VMEM((K, CH), jnp.int32),
        pltpu.VMEM((CH, D), jnp.float32),
        pltpu.SemaphoreType.DMA,
    ],
)



_RB = 1000
_GRID = N // _RB

def _dinv_block(d0_ref, d1_ref):
    return lax.rsqrt(d0_ref[:, 0:1] + d1_ref[:, 0:1] + 1.0)


def _mm_scale_body(x_ref, w_ref, d0_ref, d1_ref, o_ref):
    dinv = _dinv_block(d0_ref, d1_ref)
    o_ref[...] = jnp.dot(x_ref[...], w_ref[...],
                         preferred_element_type=jnp.float32) * dinv


def _comb_mm_body(p_ref, g_ref, d0_ref, d1_ref, w_ref, o_ref):
    dinv = _dinv_block(d0_ref, d1_ref)
    h = jnp.maximum(dinv * (p_ref[...] + g_ref[...]), 0.0)
    o_ref[...] = jnp.dot(h, w_ref[...], preferred_element_type=jnp.float32) * dinv


def _final_body(q_ref, g_ref, d0_ref, d1_ref, b_ref, o_ref):
    dinv = _dinv_block(d0_ref, d1_ref)
    o_ref[...] = dinv * (q_ref[...] + g_ref[...]) + b_ref[...]


_row_spec = pl.BlockSpec((_RB, D), lambda i: (i, 0))
_deg_spec = pl.BlockSpec((_RB, DEG_W), lambda i: (i, 0))
_w_spec = pl.BlockSpec((D, D), lambda i: (0, 0))
_b_spec = pl.BlockSpec((1, D), lambda i: (0, 0))
_out_sds = jax.ShapeDtypeStruct((N, D), jnp.float32)

_mm_scale = pl.pallas_call(
    _mm_scale_body, grid=(_GRID,),
    in_specs=[_row_spec, _w_spec, _deg_spec, _deg_spec],
    out_specs=_row_spec, out_shape=_out_sds)

_comb_mm = pl.pallas_call(
    _comb_mm_body, grid=(_GRID,),
    in_specs=[_row_spec, _row_spec, _deg_spec, _deg_spec, _w_spec],
    out_specs=_row_spec, out_shape=_out_sds)

_final = pl.pallas_call(
    _final_body, grid=(_GRID,),
    in_specs=[_row_spec, _row_spec, _deg_spec, _deg_spec, _b_spec],
    out_specs=_row_spec, out_shape=_out_sds)



def kernel(x, edge_index, W1, W2, b2):
    pad = EPAD - E
    src = jnp.concatenate([edge_index[0], jnp.zeros((pad,), jnp.int32)])
    dst = jnp.concatenate([edge_index[1], jnp.full((pad,), N, jnp.int32)])
    src3 = src.reshape(NW, NCHUNK, CH)
    dst3 = dst.reshape(NW, NCHUNK, CH)
    src1 = src.reshape(NS, NCHUNK1, CH)
    dst1 = dst.reshape(NS, NCHUNK1, CH)

    ones_hbm = jnp.ones((CH, DEG_W), jnp.float32)
    zeros_deg = jnp.zeros((RPT, DEG_W), jnp.float32)
    zeros_row = jnp.zeros((RPT, D), jnp.float32)

    d0, d1 = _deg_call(dst3, ones_hbm, zeros_deg)
    g1 = _mm_scale(x, W1, d0, d1)
    p = _agg_call(g1, src1, dst1, zeros_row)
    g2 = _comb_mm(p, g1, d0, d1, W2)
    q = _agg_call(g2, src1, dst1, zeros_row)
    return _final(q, g2, d0, d1, b2.reshape(1, D))

# --- scband reference (transcript-rebuilt; emitter-appended) ---
"""Pipeline reference for scband-gcn-9371618640565 (READ-ONLY COPY).

The authoritative reference and input builder live on the scoring server;
editing this copy changes nothing except your own understanding.
"""

import jax, jax.numpy as jnp
import numpy as np

N = 10000
E = 320000
D = 128


def setup_inputs(seed: int = 0) -> dict:
    key = jax.random.key(seed)
    k1, k2, k3, k4 = jax.random.split(key, 4)
    x = jax.random.normal(k1, (N, D), dtype=jnp.float32)
    edge_index = jax.random.randint(k2, (2, E), 0, N, dtype=jnp.int32)
    # GCNConv weights (glorot-style scale). Layer 0: no bias; layer 1 (last): bias.
    W1 = jax.random.normal(k3, (D, D), dtype=jnp.float32) * (1.0 / np.sqrt(D))
    W2 = jax.random.normal(k4, (D, D), dtype=jnp.float32) * (1.0 / np.sqrt(D))
    b2 = jnp.zeros((D,), dtype=jnp.float32)
    return {"x": x, "edge_index": edge_index, "W1": W1, "W2": W2, "b2": b2}


def _gcn_conv(x, src, dst, W, b=None):
    # GCNConv: h = D^{-1/2} (A + I) D^{-1/2} X W (+ b); self-loops already appended to src/dst.
    num_nodes = x.shape[0]
    h = x @ W
    deg = jnp.zeros((num_nodes,), dtype=x.dtype).at[dst].add(1.0)
    dinv = jnp.where(deg > 0, 1.0 / jnp.sqrt(deg), 0.0)
    norm = dinv[src] * dinv[dst]
    msg = h[src] * norm[:, None]
    out = jnp.zeros_like(h).at[dst].add(msg)
    if b is not None:
        out = out + b
    return out


def reference(x, edge_index, W1, W2, b2):
    num_nodes = x.shape[0]
    loop = jnp.arange(num_nodes, dtype=edge_index.dtype)
    src = jnp.concatenate([edge_index[0], loop])
    dst = jnp.concatenate([edge_index[1], loop])
    # layer 0: GCNConv (no bias) -> Identity norm (bn=False) -> ReLU -> dropout(p=0, identity)
    h = _gcn_conv(x, src, dst, W1, None)
    h = jax.nn.relu(h)
    # layer 1 (last): GCNConv with bias, no norm/activation
    out = _gcn_conv(h, src, dst, W2, b2)
    return out

if __name__ == "__main__":
    import jax
    _d = setup_inputs()
    print(jax.jit(kernel)(*tuple(_d.values())))

</pallas_src>

<mosaic_0001>
#map = affine_map<(d0, d1) -> (0, 0, 0)>
#map1 = affine_map<(d0, d1) -> (0, 0)>
module attributes {stable_mosaic.version = 14 : i64} {
  func.func @_deg_body(%arg0: i32, %arg1: i32, %arg2: memref<32x80x128xi32, #tpu.memory_space<hbm>>, %arg3: memref<128x128xf32, #tpu.memory_space<hbm>>, %arg4: memref<632x128xf32, #tpu.memory_space<hbm>>, %arg5: memref<10112x128xf32, #tpu.memory_space<hbm>>, %arg6: memref<10112x128xf32, #tpu.memory_space<hbm>>, %arg7: memref<10112x128xf32, #tpu.memory_space<vmem_shared>>, %arg8: memref<80x128xi32, #tpu.memory_space<vmem>>, %arg9: memref<128x128xf32, #tpu.memory_space<vmem>>) attributes {dimension_semantics = [#tpu.dimension_semantics<core_parallel>, #tpu.dimension_semantics<subcore_parallel>], iteration_bounds = array<i64: 2, 16>, scalar_prefetch = 0 : i64, scratch_operands = 3 : i64, tpu.core_type = #tpu.core_type<sc_vector_subcore>, window_params = [{transform_indices = #map}, {transform_indices = #map1}, {transform_indices = #map1}, {transform_indices = #map1}, {transform_indices = #map1}]} {
    %mul3A = arith.constant 16 : i32
    %mul3A_0 = arith.muli %arg0, %mul3A : i32
    %add3A = arith.addi %mul3A_0, %arg1 : i32
    %mul3A_1 = arith.constant 632 : i32
    %mul3A_2 = arith.muli %arg1, %mul3A_1 : i32
    "tpu.region"() ({
      %run_scoped3A = tpu.sem_alloc : memref<!tpu.dma_semaphore, #tpu.memory_space<semaphore_mem>>
      %dma_start3A = arith.constant 0 : i32
      %dma_start3A_16 = tpu.memref_slice %arg7[%mul3A_2, %dma_start3A] : memref<10112x128xf32, #tpu.memory_space<vmem_shared>> -> memref<632x128xf32, #tpu.memory_space<vmem_shared>>
      tpu.enqueue_dma source(%arg4 : memref<632x128xf32, #tpu.memory_space<hbm>>) target(%dma_start3A_16 : memref<632x128xf32, #tpu.memory_space<vmem_shared>>) target_semaphore(%run_scoped3A : memref<!tpu.dma_semaphore, #tpu.memory_space<semaphore_mem>>)
      %dma_wait3A = arith.constant 0 : i32
      %dma_wait3A_17 = tpu.memref_slice %arg7[%mul3A_2, %dma_wait3A] : memref<10112x128xf32, #tpu.memory_space<vmem_shared>> -> memref<632x128xf32, #tpu.memory_space<vmem_shared>>
      tpu.wait_dma2 semaphore(%run_scoped3A : memref<!tpu.dma_semaphore, #tpu.memory_space<semaphore_mem>>) src(%arg4 : memref<632x128xf32, #tpu.memory_space<hbm>>) dst(%dma_wait3A_17 : memref<632x128xf32, #tpu.memory_space<vmem_shared>>)
      tpu.yield
    }) : () -> ()
    "tpu.region"() ({
      %run_scoped3A = tpu.sem_alloc : memref<!tpu.dma_semaphore, #tpu.memory_space<semaphore_mem>>
      tpu.enqueue_dma source(%arg3 : memref<128x128xf32, #tpu.memory_space<hbm>>) target(%arg9 : memref<128x128xf32, #tpu.memory_space<vmem>>) target_semaphore(%run_scoped3A : memref<!tpu.dma_semaphore, #tpu.memory_space<semaphore_mem>>)
      tpu.wait_dma2 semaphore(%run_scoped3A : memref<!tpu.dma_semaphore, #tpu.memory_space<semaphore_mem>>) src(%arg3 : memref<128x128xf32, #tpu.memory_space<hbm>>) dst(%arg9 : memref<128x128xf32, #tpu.memory_space<vmem>>)
      tpu.yield
    }) : () -> ()
    "tpu.region"() ({
      %run_scoped3A = tpu.sem_alloc : memref<!tpu.dma_semaphore, #tpu.memory_space<semaphore_mem>>
      %dma_start3A = arith.constant 0 : i32
      %dma_start3A_16 = arith.constant 0 : i32
      %dma_start3A_17 = tpu.memref_slice %arg2[%add3A, %dma_start3A, %dma_start3A_16] : memref<32x80x128xi32, #tpu.memory_space<hbm>> -> memref<1x80x128xi32, #tpu.memory_space<hbm>>
      %dma_start3A_18 = tpu.memref_squeeze %dma_start3A_17 : memref<1x80x128xi32, #tpu.memory_space<hbm>> -> memref<80x128xi32, #tpu.memory_space<hbm>>
      %dma_start3A_19 = arith.constant 0 : i32
      %dma_start3A_20 = arith.constant 0 : i32
      %dma_start3A_21 = tpu.memref_slice %arg2[%add3A, %dma_start3A_19, %dma_start3A_20] : memref<32x80x128xi32, #tpu.memory_space<hbm>> -> memref<1x80x128xi32, #tpu.memory_space<hbm>>
      %dma_start3A_22 = tpu.memref_squeeze %dma_start3A_21 : memref<1x80x128xi32, #tpu.memory_space<hbm>> -> memref<80x128xi32, #tpu.memory_space<hbm>>
      tpu.enqueue_dma source(%dma_start3A_22 : memref<80x128xi32, #tpu.memory_space<hbm>>) target(%arg8 : memref<80x128xi32, #tpu.memory_space<vmem>>) target_semaphore(%run_scoped3A : memref<!tpu.dma_semaphore, #tpu.memory_space<semaphore_mem>>)
      %dma_wait3A = arith.constant 0 : i32
      %dma_wait3A_23 = arith.constant 0 : i32
      %dma_wait3A_24 = tpu.memref_slice %arg2[%add3A, %dma_wait3A, %dma_wait3A_23] : memref<32x80x128xi32, #tpu.memory_space<hbm>> -> memref<1x80x128xi32, #tpu.memory_space<hbm>>
      %dma_wait3A_25 = tpu.memref_squeeze %dma_wait3A_24 : memref<1x80x128xi32, #tpu.memory_space<hbm>> -> memref<80x128xi32, #tpu.memory_space<hbm>>
      %dma_wait3A_26 = arith.constant 0 : i32
      %dma_wait3A_27 = arith.constant 0 : i32
      %dma_wait3A_28 = tpu.memref_slice %arg2[%add3A, %dma_wait3A_26, %dma_wait3A_27] : memref<32x80x128xi32, #tpu.memory_space<hbm>> -> memref<1x80x128xi32, #tpu.memory_space<hbm>>
      %dma_wait3A_29 = tpu.memref_squeeze %dma_wait3A_28 : memref<1x80x128xi32, #tpu.memory_space<hbm>> -> memref<80x128xi32, #tpu.memory_space<hbm>>
      tpu.wait_dma2 semaphore(%run_scoped3A : memref<!tpu.dma_semaphore, #tpu.memory_space<semaphore_mem>>) src(%dma_wait3A_29 : memref<80x128xi32, #tpu.memory_space<hbm>>) dst(%arg8 : memref<80x128xi32, #tpu.memory_space<vmem>>)
      tpu.yield
    }) : () -> ()
    %barrier3A = arith.constant 0 : index
    tpu.barrier barrier_id(%barrier3A)
    %scan3A = arith.constant 0 : i32
    %scan3A_3 = arith.constant 0 : i32
    %scan3A_4 = arith.constant 80 : i32
    %scan3A_5 = arith.addi %scan3A_3, %scan3A_4 : i32
    %scan3A_6 = arith.constant 1 : i32
    scf.for %scan3A_16 = %scan3A_3 to %scan3A_5 step %scan3A_6  : i32 {
      "tpu.region"() ({
        %run_scoped3A = tpu.sem_alloc : memref<!tpu.dma_semaphore, #tpu.memory_space<semaphore_mem>>
        %dma_start3A = arith.constant 0 : i32
        %dma_start3A_17 = tpu.memref_slice %arg8[%scan3A_16, %dma_start3A] : memref<80x128xi32, #tpu.memory_space<vmem>> -> memref<1x128xi32, #tpu.memory_space<vmem>>
        %dma_start3A_18 = tpu.memref_squeeze %dma_start3A_17 : memref<1x128xi32, #tpu.memory_space<vmem>> -> memref<128xi32, #tpu.memory_space<vmem>>
        %dma_start3A_19 = arith.constant 0 : i32
        %dma_start3A_20 = arith.constant 0 : i32
        %dma_start3A_21 = tpu.memref_slice %arg7[%dma_start3A_19, %dma_start3A_20] : memref<10112x128xf32, #tpu.memory_space<vmem_shared>> -> memref<10112x128xf32, #tpu.memory_space<vmem_shared>>
        tpu.enqueue_indirect_dma source(%arg9 : memref<128x128xf32, #tpu.memory_space<vmem>>) target(%dma_start3A_21 : memref<10112x128xf32, #tpu.memory_space<vmem_shared>>) offsets(%dma_start3A_18 : memref<128xi32, #tpu.memory_space<vmem>>) semaphore(%run_scoped3A : memref<!tpu.dma_semaphore, #tpu.memory_space<semaphore_mem>>) {add = true}
        %dma_wait3A = arith.constant 0 : i32
        %dma_wait3A_22 = tpu.memref_slice %arg8[%scan3A_16, %dma_wait3A] : memref<80x128xi32, #tpu.memory_space<vmem>> -> memref<1x128xi32, #tpu.memory_space<vmem>>
        %dma_wait3A_23 = tpu.memref_squeeze %dma_wait3A_22 : memref<1x128xi32, #tpu.memory_space<vmem>> -> memref<128xi32, #tpu.memory_space<vmem>>
        %dma_wait3A_24 = arith.constant 0 : i32
        %dma_wait3A_25 = arith.constant 0 : i32
        %dma_wait3A_26 = tpu.memref_slice %arg7[%dma_wait3A_24, %dma_wait3A_25] : memref<10112x128xf32, #tpu.memory_space<vmem_shared>> -> memref<10112x128xf32, #tpu.memory_space<vmem_shared>>
        tpu.wait_indirect_dma semaphore(%run_scoped3A : memref<!tpu.dma_semaphore, #tpu.memory_space<semaphore_mem>>) src(%arg9 : memref<128x128xf32, #tpu.memory_space<vmem>>) dst(%dma_wait3A_26 : memref<10112x128xf32, #tpu.memory_space<vmem_shared>>)
        tpu.yield
      }) : () -> ()
    }
    %scan3A_7 = arith.constant 80 : i32
    %barrier3A_8 = arith.constant 0 : index
    tpu.barrier barrier_id(%barrier3A_8)
    %eq3A = arith.constant 0 : i32
    %eq3A_9 = arith.cmpi eq, %arg0, %eq3A : i32
    %convert_element_type3A = arith.extui %eq3A_9 : i1 to i32
    %cond3A = arith.constant 0 : i32
    %cond3A_10 = arith.cmpi ne, %convert_element_type3A, %cond3A : i32
    scf.if %cond3A_10 {
      %mul3A_16 = arith.constant 632 : i32
      %mul3A_17 = arith.muli %arg1, %mul3A_16 : i32
      %mul3A_18 = arith.constant 632 : i32
      %mul3A_19 = arith.muli %arg1, %mul3A_18 : i32
      "tpu.region"() ({
        %run_scoped3A = tpu.sem_alloc : memref<!tpu.dma_semaphore, #tpu.memory_space<semaphore_mem>>
        %dma_start3A = arith.constant 0 : i32
        %dma_start3A_20 = tpu.memref_slice %arg5[%mul3A_19, %dma_start3A] : memref<10112x128xf32, #tpu.memory_space<hbm>> -> memref<632x128xf32, #tpu.memory_space<hbm>>
        %dma_start3A_21 = arith.constant 0 : i32
        %dma_start3A_22 = tpu.memref_slice %arg7[%mul3A_17, %dma_start3A_21] : memref<10112x128xf32, #tpu.memory_space<vmem_shared>> -> memref<632x128xf32, #tpu.memory_space<vmem_shared>>
        tpu.enqueue_dma source(%dma_start3A_22 : memref<632x128xf32, #tpu.memory_space<vmem_shared>>) target(%dma_start3A_20 : memref<632x128xf32, #tpu.memory_space<hbm>>) target_semaphore(%run_scoped3A : memref<!tpu.dma_semaphore, #tpu.memory_space<semaphore_mem>>)
        %dma_wait3A = arith.constant 0 : i32
        %dma_wait3A_23 = tpu.memref_slice %arg5[%mul3A_19, %dma_wait3A] : memref<10112x128xf32, #tpu.memory_space<hbm>> -> memref<632x128xf32, #tpu.memory_space<hbm>>
        %dma_wait3A_24 = arith.constant 0 : i32
        %dma_wait3A_25 = tpu.memref_slice %arg7[%mul3A_17, %dma_wait3A_24] : memref<10112x128xf32, #tpu.memory_space<vmem_shared>> -> memref<632x128xf32, #tpu.memory_space<vmem_shared>>
        tpu.wait_dma2 semaphore(%run_scoped3A : memref<!tpu.dma_semaphore, #tpu.memory_space<semaphore_mem>>) src(%dma_wait3A_25 : memref<632x128xf32, #tpu.memory_space<vmem_shared>>) dst(%dma_wait3A_23 : memref<632x128xf32, #tpu.memory_space<hbm>>)
        tpu.yield
      }) : () -> ()
    } else {
    }
    %eq3A_11 = arith.constant 1 : i32
    %eq3A_12 = arith.cmpi eq, %arg0, %eq3A_11 : i32
    %convert_element_type3A_13 = arith.extui %eq3A_12 : i1 to i32
    %cond3A_14 = arith.constant 0 : i32
    %cond3A_15 = arith.cmpi ne, %convert_element_type3A_13, %cond3A_14 : i32
    scf.if %cond3A_15 {
      %mul3A_16 = arith.constant 632 : i32
      %mul3A_17 = arith.muli %arg1, %mul3A_16 : i32
      %mul3A_18 = arith.constant 632 : i32
      %mul3A_19 = arith.muli %arg1, %mul3A_18 : i32
      "tpu.region"() ({
        %run_scoped3A = tpu.sem_alloc : memref<!tpu.dma_semaphore, #tpu.memory_space<semaphore_mem>>
        %dma_start3A = arith.constant 0 : i32
        %dma_start3A_20 = tpu.memref_slice %arg6[%mul3A_19, %dma_start3A] : memref<10112x128xf32, #tpu.memory_space<hbm>> -> memref<632x128xf32, #tpu.memory_space<hbm>>
        %dma_start3A_21 = arith.constant 0 : i32
        %dma_start3A_22 = tpu.memref_slice %arg7[%mul3A_17, %dma_start3A_21] : memref<10112x128xf32, #tpu.memory_space<vmem_shared>> -> memref<632x128xf32, #tpu.memory_space<vmem_shared>>
        tpu.enqueue_dma source(%dma_start3A_22 : memref<632x128xf32, #tpu.memory_space<vmem_shared>>) target(%dma_start3A_20 : memref<632x128xf32, #tpu.memory_space<hbm>>) target_semaphore(%run_scoped3A : memref<!tpu.dma_semaphore, #tpu.memory_space<semaphore_mem>>)
        %dma_wait3A = arith.constant 0 : i32
        %dma_wait3A_23 = tpu.memref_slice %arg6[%mul3A_19, %dma_wait3A] : memref<10112x128xf32, #tpu.memory_space<hbm>> -> memref<632x128xf32, #tpu.memory_space<hbm>>
        %dma_wait3A_24 = arith.constant 0 : i32
        %dma_wait3A_25 = tpu.memref_slice %arg7[%mul3A_17, %dma_wait3A_24] : memref<10112x128xf32, #tpu.memory_space<vmem_shared>> -> memref<632x128xf32, #tpu.memory_space<vmem_shared>>
        tpu.wait_dma2 semaphore(%run_scoped3A : memref<!tpu.dma_semaphore, #tpu.memory_space<semaphore_mem>>) src(%dma_wait3A_25 : memref<632x128xf32, #tpu.memory_space<vmem_shared>>) dst(%dma_wait3A_23 : memref<632x128xf32, #tpu.memory_space<hbm>>)
        tpu.yield
      }) : () -> ()
    } else {
    }
    return
  }
}

#map = affine_map<(d0, d1) -> (0, 0)>
#map1 = affine_map<(d0, d1) -> (0, 0, 0)>
module attributes {stable_mosaic.version = 14 : i64} {
  func.func @_agg_body(%arg0: i32, %arg1: i32, %arg2: memref<10000x128xf32, #tpu.memory_space<hbm>>, %arg3: memref<16x160x128xi32, #tpu.memory_space<hbm>>, %arg4: memref<16x160x128xi32, #tpu.memory_space<hbm>>, %arg5: memref<632x128xf32, #tpu.memory_space<hbm>>, %arg6: memref<10112x128xf32, #tpu.memory_space<hbm>>, %arg7: memref<10112x128xf32, #tpu.memory_space<vmem_shared>>, %arg8: memref<8x128xi32, #tpu.memory_space<vmem>>, %arg9: memref<8x128xi32, #tpu.memory_space<vmem>>, %arg10: memref<128x128xf32, #tpu.memory_space<vmem>>, %arg11: memref<!tpu.dma_semaphore, #tpu.memory_space<semaphore_mem>>) attributes {dimension_semantics = [#tpu.dimension_semantics<core_parallel>, #tpu.dimension_semantics<subcore_parallel>], iteration_bounds = array<i64: 1, 16>, scalar_prefetch = 0 : i64, scratch_operands = 5 : i64, tpu.core_type = #tpu.core_type<sc_vector_subcore>, window_params = [{transform_indices = #map}, {transform_indices = #map1}, {transform_indices = #map1}, {transform_indices = #map}, {transform_indices = #map}]} {
    %mul3A = arith.constant 632 : i32
    %mul3A_0 = arith.muli %arg1, %mul3A : i32
    "tpu.region"() ({
      %run_scoped3A = tpu.sem_alloc : memref<!tpu.dma_semaphore, #tpu.memory_space<semaphore_mem>>
      %dma_start3A = arith.constant 0 : i32
      %dma_start3A_11 = tpu.memref_slice %arg7[%mul3A_0, %dma_start3A] : memref<10112x128xf32, #tpu.memory_space<vmem_shared>> -> memref<632x128xf32, #tpu.memory_space<vmem_shared>>
      tpu.enqueue_dma source(%arg5 : memref<632x128xf32, #tpu.memory_space<hbm>>) target(%dma_start3A_11 : memref<632x128xf32, #tpu.memory_space<vmem_shared>>) target_semaphore(%run_scoped3A : memref<!tpu.dma_semaphore, #tpu.memory_space<semaphore_mem>>)
      %dma_wait3A = arith.constant 0 : i32
      %dma_wait3A_12 = tpu.memref_slice %arg7[%mul3A_0, %dma_wait3A] : memref<10112x128xf32, #tpu.memory_space<vmem_shared>> -> memref<632x128xf32, #tpu.memory_space<vmem_shared>>
      tpu.wait_dma2 semaphore(%run_scoped3A : memref<!tpu.dma_semaphore, #tpu.memory_space<semaphore_mem>>) src(%arg5 : memref<632x128xf32, #tpu.memory_space<hbm>>) dst(%dma_wait3A_12 : memref<632x128xf32, #tpu.memory_space<vmem_shared>>)
      tpu.yield
    }) : () -> ()
    %barrier3A = arith.constant 0 : index
    tpu.barrier barrier_id(%barrier3A)
    %scan3A = arith.constant 0 : i32
    %scan3A_1 = arith.constant 0 : i32
    %scan3A_2 = arith.constant 20 : i32
    %scan3A_3 = arith.addi %scan3A_1, %scan3A_2 : i32
    %scan3A_4 = arith.constant 1 : i32
    scf.for %scan3A_11 = %scan3A_1 to %scan3A_3 step %scan3A_4  : i32 {
      %mul3A_12 = arith.constant 8 : i32
      %mul3A_13 = arith.muli %scan3A_11, %mul3A_12 : i32
      "tpu.region"() ({
        %run_scoped3A = tpu.sem_alloc : memref<!tpu.dma_semaphore, #tpu.memory_space<semaphore_mem>>
        %dma_start3A = arith.constant 0 : i32
        %dma_start3A_21 = arith.constant 0 : i32
        %dma_start3A_22 = tpu.memref_slice %arg3[%arg1, %dma_start3A, %dma_start3A_21] : memref<16x160x128xi32, #tpu.memory_space<hbm>> -> memref<1x160x128xi32, #tpu.memory_space<hbm>>
        %dma_start3A_23 = tpu.memref_squeeze %dma_start3A_22 : memref<1x160x128xi32, #tpu.memory_space<hbm>> -> memref<160x128xi32, #tpu.memory_space<hbm>>
        %dma_start3A_24 = arith.constant 0 : i32
        %dma_start3A_25 = tpu.memref_slice %dma_start3A_23[%mul3A_13, %dma_start3A_24] : memref<160x128xi32, #tpu.memory_space<hbm>> -> memref<8x128xi32, #tpu.memory_space<hbm>>
        %dma_start3A_26 = arith.constant 0 : i32
        %dma_start3A_27 = arith.constant 0 : i32
        %dma_start3A_28 = tpu.memref_slice %arg3[%arg1, %dma_start3A_26, %dma_start3A_27] : memref<16x160x128xi32, #tpu.memory_space<hbm>> -> memref<1x160x128xi32, #tpu.memory_space<hbm>>
        %dma_start3A_29 = tpu.memref_squeeze %dma_start3A_28 : memref<1x160x128xi32, #tpu.memory_space<hbm>> -> memref<160x128xi32, #tpu.memory_space<hbm>>
        %dma_start3A_30 = arith.constant 0 : i32
        %dma_start3A_31 = tpu.memref_slice %dma_start3A_29[%mul3A_13, %dma_start3A_30] : memref<160x128xi32, #tpu.memory_space<hbm>> -> memref<8x128xi32, #tpu.memory_space<hbm>>
        tpu.enqueue_dma source(%dma_start3A_31 : memref<8x128xi32, #tpu.memory_space<hbm>>) target(%arg8 : memref<8x128xi32, #tpu.memory_space<vmem>>) target_semaphore(%run_scoped3A : memref<!tpu.dma_semaphore, #tpu.memory_space<semaphore_mem>>)
        %dma_wait3A = arith.constant 0 : i32
        %dma_wait3A_32 = arith.constant 0 : i32
        %dma_wait3A_33 = tpu.memref_slice %arg3[%arg1, %dma_wait3A, %dma_wait3A_32] : memref<16x160x128xi32, #tpu.memory_space<hbm>> -> memref<1x160x128xi32, #tpu.memory_space<hbm>>
        %dma_wait3A_34 = tpu.memref_squeeze %dma_wait3A_33 : memref<1x160x128xi32, #tpu.memory_space<hbm>> -> memref<160x128xi32, #tpu.memory_space<hbm>>
        %dma_wait3A_35 = arith.constant 0 : i32
        %dma_wait3A_36 = tpu.memref_slice %dma_wait3A_34[%mul3A_13, %dma_wait3A_35] : memref<160x128xi32, #tpu.memory_space<hbm>> -> memref<8x128xi32, #tpu.memory_space<hbm>>
        %dma_wait3A_37 = arith.constant 0 : i32
        %dma_wait3A_38 = arith.constant 0 : i32
        %dma_wait3A_39 = tpu.memref_slice %arg3[%arg1, %dma_wait3A_37, %dma_wait3A_38] : memref<16x160x128xi32, #tpu.memory_space<hbm>> -> memref<1x160x128xi32, #tpu.memory_space<hbm>>
        %dma_wait3A_40 = tpu.memref_squeeze %dma_wait3A_39 : memref<1x160x128xi32, #tpu.memory_space<hbm>> -> memref<160x128xi32, #tpu.memory_space<hbm>>
        %dma_wait3A_41 = arith.constant 0 : i32
        %dma_wait3A_42 = tpu.memref_slice %dma_wait3A_40[%mul3A_13, %dma_wait3A_41] : memref<160x128xi32, #tpu.memory_space<hbm>> -> memref<8x128xi32, #tpu.memory_space<hbm>>
        tpu.wait_dma2 semaphore(%run_scoped3A : memref<!tpu.dma_semaphore, #tpu.memory_space<semaphore_mem>>) src(%dma_wait3A_42 : memref<8x128xi32, #tpu.memory_space<hbm>>) dst(%arg8 : memref<8x128xi32, #tpu.memory_space<vmem>>)
        tpu.yield
      }) : () -> ()
      %mul3A_14 = arith.constant 8 : i32
      %mul3A_15 = arith.muli %scan3A_11, %mul3A_14 : i32
      "tpu.region"() ({
        %run_scoped3A = tpu.sem_alloc : memref<!tpu.dma_semaphore, #tpu.memory_space<semaphore_mem>>
        %dma_start3A = arith.constant 0 : i32
        %dma_start3A_21 = arith.constant 0 : i32
        %dma_start3A_22 = tpu.memref_slice %arg4[%arg1, %dma_start3A, %dma_start3A_21] : memref<16x160x128xi32, #tpu.memory_space<hbm>> -> memref<1x160x128xi32, #tpu.memory_space<hbm>>
        %dma_start3A_23 = tpu.memref_squeeze %dma_start3A_22 : memref<1x160x128xi32, #tpu.memory_space<hbm>> -> memref<160x128xi32, #tpu.memory_space<hbm>>
        %dma_start3A_24 = arith.constant 0 : i32
        %dma_start3A_25 = tpu.memref_slice %dma_start3A_23[%mul3A_15, %dma_start3A_24] : memref<160x128xi32, #tpu.memory_space<hbm>> -> memref<8x128xi32, #tpu.memory_space<hbm>>
        %dma_start3A_26 = arith.constant 0 : i32
        %dma_start3A_27 = arith.constant 0 : i32
        %dma_start3A_28 = tpu.memref_slice %arg4[%arg1, %dma_start3A_26, %dma_start3A_27] : memref<16x160x128xi32, #tpu.memory_space<hbm>> -> memref<1x160x128xi32, #tpu.memory_space<hbm>>
        %dma_start3A_29 = tpu.memref_squeeze %dma_start3A_28 : memref<1x160x128xi32, #tpu.memory_space<hbm>> -> memref<160x128xi32, #tpu.memory_space<hbm>>
        %dma_start3A_30 = arith.constant 0 : i32
        %dma_start3A_31 = tpu.memref_slice %dma_start3A_29[%mul3A_15, %dma_start3A_30] : memref<160x128xi32, #tpu.memory_space<hbm>> -> memref<8x128xi32, #tpu.memory_space<hbm>>
        tpu.enqueue_dma source(%dma_start3A_31 : memref<8x128xi32, #tpu.memory_space<hbm>>) target(%arg9 : memref<8x128xi32, #tpu.memory_space<vmem>>) target_semaphore(%run_scoped3A : memref<!tpu.dma_semaphore, #tpu.memory_space<semaphore_mem>>)
        %dma_wait3A = arith.constant 0 : i32
        %dma_wait3A_32 = arith.constant 0 : i32
        %dma_wait3A_33 = tpu.memref_slice %arg4[%arg1, %dma_wait3A, %dma_wait3A_32] : memref<16x160x128xi32, #tpu.memory_space<hbm>> -> memref<1x160x128xi32, #tpu.memory_space<hbm>>
        %dma_wait3A_34 = tpu.memref_squeeze %dma_wait3A_33 : memref<1x160x128xi32, #tpu.memory_space<hbm>> -> memref<160x128xi32, #tpu.memory_space<hbm>>
        %dma_wait3A_35 = arith.constant 0 : i32
        %dma_wait3A_36 = tpu.memref_slice %dma_wait3A_34[%mul3A_15, %dma_wait3A_35] : memref<160x128xi32, #tpu.memory_space<hbm>> -> memref<8x128xi32, #tpu.memory_space<hbm>>
        %dma_wait3A_37 = arith.constant 0 : i32
        %dma_wait3A_38 = arith.constant 0 : i32
        %dma_wait3A_39 = tpu.memref_slice %arg4[%arg1, %dma_wait3A_37, %dma_wait3A_38] : memref<16x160x128xi32, #tpu.memory_space<hbm>> -> memref<1x160x128xi32, #tpu.memory_space<hbm>>
        %dma_wait3A_40 = tpu.memref_squeeze %dma_wait3A_39 : memref<1x160x128xi32, #tpu.memory_space<hbm>> -> memref<160x128xi32, #tpu.memory_space<hbm>>
        %dma_wait3A_41 = arith.constant 0 : i32
        %dma_wait3A_42 = tpu.memref_slice %dma_wait3A_40[%mul3A_15, %dma_wait3A_41] : memref<160x128xi32, #tpu.memory_space<hbm>> -> memref<8x128xi32, #tpu.memory_space<hbm>>
        tpu.wait_dma2 semaphore(%run_scoped3A : memref<!tpu.dma_semaphore, #tpu.memory_space<semaphore_mem>>) src(%dma_wait3A_42 : memref<8x128xi32, #tpu.memory_space<hbm>>) dst(%arg9 : memref<8x128xi32, #tpu.memory_space<vmem>>)
        tpu.yield
      }) : () -> ()
      %scan3A_16 = arith.constant 0 : i32
      %scan3A_17 = arith.constant 8 : i32
      %scan3A_18 = arith.addi %scan3A_16, %scan3A_17 : i32
      %scan3A_19 = arith.constant 1 : i32
      scf.for %scan3A_21 = %scan3A_16 to %scan3A_18 step %scan3A_19  : i32 {
        %dma_start3A = arith.constant 0 : i32
        %dma_start3A_22 = tpu.memref_slice %arg8[%scan3A_21, %dma_start3A] : memref<8x128xi32, #tpu.memory_space<vmem>> -> memref<1x128xi32, #tpu.memory_space<vmem>>
        %dma_start3A_23 = tpu.memref_squeeze %dma_start3A_22 : memref<1x128xi32, #tpu.memory_space<vmem>> -> memref<128xi32, #tpu.memory_space<vmem>>
        %dma_start3A_24 = arith.constant 0 : i32
        %dma_start3A_25 = arith.constant 0 : i32
        %dma_start3A_26 = tpu.memref_slice %arg2[%dma_start3A_24, %dma_start3A_25] : memref<10000x128xf32, #tpu.memory_space<hbm>> -> memref<10000x128xf32, #tpu.memory_space<hbm>>
        tpu.enqueue_indirect_dma source(%dma_start3A_26 : memref<10000x128xf32, #tpu.memory_space<hbm>>) target(%arg10 : memref<128x128xf32, #tpu.memory_space<vmem>>) offsets(%dma_start3A_23 : memref<128xi32, #tpu.memory_space<vmem>>) semaphore(%arg11 : memref<!tpu.dma_semaphore, #tpu.memory_space<semaphore_mem>>)
        %dma_wait3A = arith.constant 0 : i32
        %dma_wait3A_27 = tpu.memref_slice %arg8[%scan3A_21, %dma_wait3A] : memref<8x128xi32, #tpu.memory_space<vmem>> -> memref<1x128xi32, #tpu.memory_space<vmem>>
        %dma_wait3A_28 = tpu.memref_squeeze %dma_wait3A_27 : memref<1x128xi32, #tpu.memory_space<vmem>> -> memref<128xi32, #tpu.memory_space<vmem>>
        %dma_wait3A_29 = arith.constant 0 : i32
        %dma_wait3A_30 = arith.constant 0 : i32
        %dma_wait3A_31 = tpu.memref_slice %arg2[%dma_wait3A_29, %dma_wait3A_30] : memref<10000x128xf32, #tpu.memory_space<hbm>> -> memref<10000x128xf32, #tpu.memory_space<hbm>>
        tpu.wait_indirect_dma semaphore(%arg11 : memref<!tpu.dma_semaphore, #tpu.memory_space<semaphore_mem>>) src(%dma_wait3A_31 : memref<10000x128xf32, #tpu.memory_space<hbm>>) dst(%arg10 : memref<128x128xf32, #tpu.memory_space<vmem>>)
        "tpu.region"() ({
          %run_scoped3A = tpu.sem_alloc : memref<!tpu.dma_semaphore, #tpu.memory_space<semaphore_mem>>
          %dma_start3A_32 = arith.constant 0 : i32
          %dma_start3A_33 = tpu.memref_slice %arg9[%scan3A_21, %dma_start3A_32] : memref<8x128xi32, #tpu.memory_space<vmem>> -> memref<1x128xi32, #tpu.memory_space<vmem>>
          %dma_start3A_34 = tpu.memref_squeeze %dma_start3A_33 : memref<1x128xi32, #tpu.memory_space<vmem>> -> memref<128xi32, #tpu.memory_space<vmem>>
          %dma_start3A_35 = arith.constant 0 : i32
          %dma_start3A_36 = arith.constant 0 : i32
          %dma_start3A_37 = tpu.memref_slice %arg7[%dma_start3A_35, %dma_start3A_36] : memref<10112x128xf32, #tpu.memory_space<vmem_shared>> -> memref<10112x128xf32, #tpu.memory_space<vmem_shared>>
          tpu.enqueue_indirect_dma source(%arg10 : memref<128x128xf32, #tpu.memory_space<vmem>>) target(%dma_start3A_37 : memref<10112x128xf32, #tpu.memory_space<vmem_shared>>) offsets(%dma_start3A_34 : memref<128xi32, #tpu.memory_space<vmem>>) semaphore(%run_scoped3A : memref<!tpu.dma_semaphore, #tpu.memory_space<semaphore_mem>>) {add = true}
          %dma_wait3A_38 = arith.constant 0 : i32
          %dma_wait3A_39 = tpu.memref_slice %arg9[%scan3A_21, %dma_wait3A_38] : memref<8x128xi32, #tpu.memory_space<vmem>> -> memref<1x128xi32, #tpu.memory_space<vmem>>
          %dma_wait3A_40 = tpu.memref_squeeze %dma_wait3A_39 : memref<1x128xi32, #tpu.memory_space<vmem>> -> memref<128xi32, #tpu.memory_space<vmem>>
          %dma_wait3A_41 = arith.constant 0 : i32
          %dma_wait3A_42 = arith.constant 0 : i32
          %dma_wait3A_43 = tpu.memref_slice %arg7[%dma_wait3A_41, %dma_wait3A_42] : memref<10112x128xf32, #tpu.memory_space<vmem_shared>> -> memref<10112x128xf32, #tpu.memory_space<vmem_shared>>
          tpu.wait_indirect_dma semaphore(%run_scoped3A : memref<!tpu.dma_semaphore, #tpu.memory_space<semaphore_mem>>) src(%arg10 : memref<128x128xf32, #tpu.memory_space<vmem>>) dst(%dma_wait3A_43 : memref<10112x128xf32, #tpu.memory_space<vmem_shared>>)
          tpu.yield
        }) : () -> ()
      }
      %scan3A_20 = arith.constant 8 : i32
    }
    %scan3A_5 = arith.constant 20 : i32
    %barrier3A_6 = arith.constant 0 : index
    tpu.barrier barrier_id(%barrier3A_6)
    %mul3A_7 = arith.constant 632 : i32
    %mul3A_8 = arith.muli %arg1, %mul3A_7 : i32
    %mul3A_9 = arith.constant 632 : i32
    %mul3A_10 = arith.muli %arg1, %mul3A_9 : i32
    "tpu.region"() ({
      %run_scoped3A = tpu.sem_alloc : memref<!tpu.dma_semaphore, #tpu.memory_space<semaphore_mem>>
      %dma_start3A = arith.constant 0 : i32
      %dma_start3A_11 = tpu.memref_slice %arg6[%mul3A_10, %dma_start3A] : memref<10112x128xf32, #tpu.memory_space<hbm>> -> memref<632x128xf32, #tpu.memory_space<hbm>>
      %dma_start3A_12 = arith.constant 0 : i32
      %dma_start3A_13 = tpu.memref_slice %arg7[%mul3A_8, %dma_start3A_12] : memref<10112x128xf32, #tpu.memory_space<vmem_shared>> -> memref<632x128xf32, #tpu.memory_space<vmem_shared>>
      tpu.enqueue_dma source(%dma_start3A_13 : memref<632x128xf32, #tpu.memory_space<vmem_shared>>) target(%dma_start3A_11 : memref<632x128xf32, #tpu.memory_space<hbm>>) target_semaphore(%run_scoped3A : memref<!tpu.dma_semaphore, #tpu.memory_space<semaphore_mem>>)
      %dma_wait3A = arith.constant 0 : i32
      %dma_wait3A_14 = tpu.memref_slice %arg6[%mul3A_10, %dma_wait3A] : memref<10112x128xf32, #tpu.memory_space<hbm>> -> memref<632x128xf32, #tpu.memory_space<hbm>>
      %dma_wait3A_15 = arith.constant 0 : i32
      %dma_wait3A_16 = tpu.memref_slice %arg7[%mul3A_8, %dma_wait3A_15] : memref<10112x128xf32, #tpu.memory_space<vmem_shared>> -> memref<632x128xf32, #tpu.memory_space<vmem_shared>>
      tpu.wait_dma2 semaphore(%run_scoped3A : memref<!tpu.dma_semaphore, #tpu.memory_space<semaphore_mem>>) src(%dma_wait3A_16 : memref<632x128xf32, #tpu.memory_space<vmem_shared>>) dst(%dma_wait3A_14 : memref<632x128xf32, #tpu.memory_space<hbm>>)
      tpu.yield
    }) : () -> ()
    return
  }
}

#map = affine_map<(d0, d1) -> (0, 0)>
#map1 = affine_map<(d0, d1) -> (0, 0, 0)>
module attributes {stable_mosaic.version = 14 : i64} {
  func.func @_agg_body(%arg0: i32, %arg1: i32, %arg2: memref<10000x128xf32, #tpu.memory_space<hbm>>, %arg3: memref<16x160x128xi32, #tpu.memory_space<hbm>>, %arg4: memref<16x160x128xi32, #tpu.memory_space<hbm>>, %arg5: memref<632x128xf32, #tpu.memory_space<hbm>>, %arg6: memref<10112x128xf32, #tpu.memory_space<hbm>>, %arg7: memref<10112x128xf32, #tpu.memory_space<vmem_shared>>, %arg8: memref<8x128xi32, #tpu.memory_space<vmem>>, %arg9: memref<8x128xi32, #tpu.memory_space<vmem>>, %arg10: memref<128x128xf32, #tpu.memory_space<vmem>>, %arg11: memref<!tpu.dma_semaphore, #tpu.memory_space<semaphore_mem>>) attributes {dimension_semantics = [#tpu.dimension_semantics<core_parallel>, #tpu.dimension_semantics<subcore_parallel>], iteration_bounds = array<i64: 1, 16>, scalar_prefetch = 0 : i64, scratch_operands = 5 : i64, tpu.core_type = #tpu.core_type<sc_vector_subcore>, window_params = [{transform_indices = #map}, {transform_indices = #map1}, {transform_indices = #map1}, {transform_indices = #map}, {transform_indices = #map}]} {
    %mul3A = arith.constant 632 : i32
    %mul3A_0 = arith.muli %arg1, %mul3A : i32
    "tpu.region"() ({
      %run_scoped3A = tpu.sem_alloc : memref<!tpu.dma_semaphore, #tpu.memory_space<semaphore_mem>>
      %dma_start3A = arith.constant 0 : i32
      %dma_start3A_11 = tpu.memref_slice %arg7[%mul3A_0, %dma_start3A] : memref<10112x128xf32, #tpu.memory_space<vmem_shared>> -> memref<632x128xf32, #tpu.memory_space<vmem_shared>>
      tpu.enqueue_dma source(%arg5 : memref<632x128xf32, #tpu.memory_space<hbm>>) target(%dma_start3A_11 : memref<632x128xf32, #tpu.memory_space<vmem_shared>>) target_semaphore(%run_scoped3A : memref<!tpu.dma_semaphore, #tpu.memory_space<semaphore_mem>>)
      %dma_wait3A = arith.constant 0 : i32
      %dma_wait3A_12 = tpu.memref_slice %arg7[%mul3A_0, %dma_wait3A] : memref<10112x128xf32, #tpu.memory_space<vmem_shared>> -> memref<632x128xf32, #tpu.memory_space<vmem_shared>>
      tpu.wait_dma2 semaphore(%run_scoped3A : memref<!tpu.dma_semaphore, #tpu.memory_space<semaphore_mem>>) src(%arg5 : memref<632x128xf32, #tpu.memory_space<hbm>>) dst(%dma_wait3A_12 : memref<632x128xf32, #tpu.memory_space<vmem_shared>>)
      tpu.yield
    }) : () -> ()
    %barrier3A = arith.constant 0 : index
    tpu.barrier barrier_id(%barrier3A)
    %scan3A = arith.constant 0 : i32
    %scan3A_1 = arith.constant 0 : i32
    %scan3A_2 = arith.constant 20 : i32
    %scan3A_3 = arith.addi %scan3A_1, %scan3A_2 : i32
    %scan3A_4 = arith.constant 1 : i32
    scf.for %scan3A_11 = %scan3A_1 to %scan3A_3 step %scan3A_4  : i32 {
      %mul3A_12 = arith.constant 8 : i32
      %mul3A_13 = arith.muli %scan3A_11, %mul3A_12 : i32
      "tpu.region"() ({
        %run_scoped3A = tpu.sem_alloc : memref<!tpu.dma_semaphore, #tpu.memory_space<semaphore_mem>>
        %dma_start3A = arith.constant 0 : i32
        %dma_start3A_21 = arith.constant 0 : i32
        %dma_start3A_22 = tpu.memref_slice %arg3[%arg1, %dma_start3A, %dma_start3A_21] : memref<16x160x128xi32, #tpu.memory_space<hbm>> -> memref<1x160x128xi32, #tpu.memory_space<hbm>>
        %dma_start3A_23 = tpu.memref_squeeze %dma_start3A_22 : memref<1x160x128xi32, #tpu.memory_space<hbm>> -> memref<160x128xi32, #tpu.memory_space<hbm>>
        %dma_start3A_24 = arith.constant 0 : i32
        %dma_start3A_25 = tpu.memref_slice %dma_start3A_23[%mul3A_13, %dma_start3A_24] : memref<160x128xi32, #tpu.memory_space<hbm>> -> memref<8x128xi32, #tpu.memory_space<hbm>>
        %dma_start3A_26 = arith.constant 0 : i32
        %dma_start3A_27 = arith.constant 0 : i32
        %dma_start3A_28 = tpu.memref_slice %arg3[%arg1, %dma_start3A_26, %dma_start3A_27] : memref<16x160x128xi32, #tpu.memory_space<hbm>> -> memref<1x160x128xi32, #tpu.memory_space<hbm>>
        %dma_start3A_29 = tpu.memref_squeeze %dma_start3A_28 : memref<1x160x128xi32, #tpu.memory_space<hbm>> -> memref<160x128xi32, #tpu.memory_space<hbm>>
        %dma_start3A_30 = arith.constant 0 : i32
        %dma_start3A_31 = tpu.memref_slice %dma_start3A_29[%mul3A_13, %dma_start3A_30] : memref<160x128xi32, #tpu.memory_space<hbm>> -> memref<8x128xi32, #tpu.memory_space<hbm>>
        tpu.enqueue_dma source(%dma_start3A_31 : memref<8x128xi32, #tpu.memory_space<hbm>>) target(%arg8 : memref<8x128xi32, #tpu.memory_space<vmem>>) target_semaphore(%run_scoped3A : memref<!tpu.dma_semaphore, #tpu.memory_space<semaphore_mem>>)
        %dma_wait3A = arith.constant 0 : i32
        %dma_wait3A_32 = arith.constant 0 : i32
        %dma_wait3A_33 = tpu.memref_slice %arg3[%arg1, %dma_wait3A, %dma_wait3A_32] : memref<16x160x128xi32, #tpu.memory_space<hbm>> -> memref<1x160x128xi32, #tpu.memory_space<hbm>>
        %dma_wait3A_34 = tpu.memref_squeeze %dma_wait3A_33 : memref<1x160x128xi32, #tpu.memory_space<hbm>> -> memref<160x128xi32, #tpu.memory_space<hbm>>
        %dma_wait3A_35 = arith.constant 0 : i32
        %dma_wait3A_36 = tpu.memref_slice %dma_wait3A_34[%mul3A_13, %dma_wait3A_35] : memref<160x128xi32, #tpu.memory_space<hbm>> -> memref<8x128xi32, #tpu.memory_space<hbm>>
        %dma_wait3A_37 = arith.constant 0 : i32
        %dma_wait3A_38 = arith.constant 0 : i32
        %dma_wait3A_39 = tpu.memref_slice %arg3[%arg1, %dma_wait3A_37, %dma_wait3A_38] : memref<16x160x128xi32, #tpu.memory_space<hbm>> -> memref<1x160x128xi32, #tpu.memory_space<hbm>>
        %dma_wait3A_40 = tpu.memref_squeeze %dma_wait3A_39 : memref<1x160x128xi32, #tpu.memory_space<hbm>> -> memref<160x128xi32, #tpu.memory_space<hbm>>
        %dma_wait3A_41 = arith.constant 0 : i32
        %dma_wait3A_42 = tpu.memref_slice %dma_wait3A_40[%mul3A_13, %dma_wait3A_41] : memref<160x128xi32, #tpu.memory_space<hbm>> -> memref<8x128xi32, #tpu.memory_space<hbm>>
        tpu.wait_dma2 semaphore(%run_scoped3A : memref<!tpu.dma_semaphore, #tpu.memory_space<semaphore_mem>>) src(%dma_wait3A_42 : memref<8x128xi32, #tpu.memory_space<hbm>>) dst(%arg8 : memref<8x128xi32, #tpu.memory_space<vmem>>)
        tpu.yield
      }) : () -> ()
      %mul3A_14 = arith.constant 8 : i32
      %mul3A_15 = arith.muli %scan3A_11, %mul3A_14 : i32
      "tpu.region"() ({
        %run_scoped3A = tpu.sem_alloc : memref<!tpu.dma_semaphore, #tpu.memory_space<semaphore_mem>>
        %dma_start3A = arith.constant 0 : i32
        %dma_start3A_21 = arith.constant 0 : i32
        %dma_start3A_22 = tpu.memref_slice %arg4[%arg1, %dma_start3A, %dma_start3A_21] : memref<16x160x128xi32, #tpu.memory_space<hbm>> -> memref<1x160x128xi32, #tpu.memory_space<hbm>>
        %dma_start3A_23 = tpu.memref_squeeze %dma_start3A_22 : memref<1x160x128xi32, #tpu.memory_space<hbm>> -> memref<160x128xi32, #tpu.memory_space<hbm>>
        %dma_start3A_24 = arith.constant 0 : i32
        %dma_start3A_25 = tpu.memref_slice %dma_start3A_23[%mul3A_15, %dma_start3A_24] : memref<160x128xi32, #tpu.memory_space<hbm>> -> memref<8x128xi32, #tpu.memory_space<hbm>>
        %dma_start3A_26 = arith.constant 0 : i32
        %dma_start3A_27 = arith.constant 0 : i32
        %dma_start3A_28 = tpu.memref_slice %arg4[%arg1, %dma_start3A_26, %dma_start3A_27] : memref<16x160x128xi32, #tpu.memory_space<hbm>> -> memref<1x160x128xi32, #tpu.memory_space<hbm>>
        %dma_start3A_29 = tpu.memref_squeeze %dma_start3A_28 : memref<1x160x128xi32, #tpu.memory_space<hbm>> -> memref<160x128xi32, #tpu.memory_space<hbm>>
        %dma_start3A_30 = arith.constant 0 : i32
        %dma_start3A_31 = tpu.memref_slice %dma_start3A_29[%mul3A_15, %dma_start3A_30] : memref<160x128xi32, #tpu.memory_space<hbm>> -> memref<8x128xi32, #tpu.memory_space<hbm>>
        tpu.enqueue_dma source(%dma_start3A_31 : memref<8x128xi32, #tpu.memory_space<hbm>>) target(%arg9 : memref<8x128xi32, #tpu.memory_space<vmem>>) target_semaphore(%run_scoped3A : memref<!tpu.dma_semaphore, #tpu.memory_space<semaphore_mem>>)
        %dma_wait3A = arith.constant 0 : i32
        %dma_wait3A_32 = arith.constant 0 : i32
        %dma_wait3A_33 = tpu.memref_slice %arg4[%arg1, %dma_wait3A, %dma_wait3A_32] : memref<16x160x128xi32, #tpu.memory_space<hbm>> -> memref<1x160x128xi32, #tpu.memory_space<hbm>>
        %dma_wait3A_34 = tpu.memref_squeeze %dma_wait3A_33 : memref<1x160x128xi32, #tpu.memory_space<hbm>> -> memref<160x128xi32, #tpu.memory_space<hbm>>
        %dma_wait3A_35 = arith.constant 0 : i32
        %dma_wait3A_36 = tpu.memref_slice %dma_wait3A_34[%mul3A_15, %dma_wait3A_35] : memref<160x128xi32, #tpu.memory_space<hbm>> -> memref<8x128xi32, #tpu.memory_space<hbm>>
        %dma_wait3A_37 = arith.constant 0 : i32
        %dma_wait3A_38 = arith.constant 0 : i32
        %dma_wait3A_39 = tpu.memref_slice %arg4[%arg1, %dma_wait3A_37, %dma_wait3A_38] : memref<16x160x128xi32, #tpu.memory_space<hbm>> -> memref<1x160x128xi32, #tpu.memory_space<hbm>>
        %dma_wait3A_40 = tpu.memref_squeeze %dma_wait3A_39 : memref<1x160x128xi32, #tpu.memory_space<hbm>> -> memref<160x128xi32, #tpu.memory_space<hbm>>
        %dma_wait3A_41 = arith.constant 0 : i32
        %dma_wait3A_42 = tpu.memref_slice %dma_wait3A_40[%mul3A_15, %dma_wait3A_41] : memref<160x128xi32, #tpu.memory_space<hbm>> -> memref<8x128xi32, #tpu.memory_space<hbm>>
        tpu.wait_dma2 semaphore(%run_scoped3A : memref<!tpu.dma_semaphore, #tpu.memory_space<semaphore_mem>>) src(%dma_wait3A_42 : memref<8x128xi32, #tpu.memory_space<hbm>>) dst(%arg9 : memref<8x128xi32, #tpu.memory_space<vmem>>)
        tpu.yield
      }) : () -> ()
      %scan3A_16 = arith.constant 0 : i32
      %scan3A_17 = arith.constant 8 : i32
      %scan3A_18 = arith.addi %scan3A_16, %scan3A_17 : i32
      %scan3A_19 = arith.constant 1 : i32
      scf.for %scan3A_21 = %scan3A_16 to %scan3A_18 step %scan3A_19  : i32 {
        %dma_start3A = arith.constant 0 : i32
        %dma_start3A_22 = tpu.memref_slice %arg8[%scan3A_21, %dma_start3A] : memref<8x128xi32, #tpu.memory_space<vmem>> -> memref<1x128xi32, #tpu.memory_space<vmem>>
        %dma_start3A_23 = tpu.memref_squeeze %dma_start3A_22 : memref<1x128xi32, #tpu.memory_space<vmem>> -> memref<128xi32, #tpu.memory_space<vmem>>
        %dma_start3A_24 = arith.constant 0 : i32
        %dma_start3A_25 = arith.constant 0 : i32
        %dma_start3A_26 = tpu.memref_slice %arg2[%dma_start3A_24, %dma_start3A_25] : memref<10000x128xf32, #tpu.memory_space<hbm>> -> memref<10000x128xf32, #tpu.memory_space<hbm>>
        tpu.enqueue_indirect_dma source(%dma_start3A_26 : memref<10000x128xf32, #tpu.memory_space<hbm>>) target(%arg10 : memref<128x128xf32, #tpu.memory_space<vmem>>) offsets(%dma_start3A_23 : memref<128xi32, #tpu.memory_space<vmem>>) semaphore(%arg11 : memref<!tpu.dma_semaphore, #tpu.memory_space<semaphore_mem>>)
        %dma_wait3A = arith.constant 0 : i32
        %dma_wait3A_27 = tpu.memref_slice %arg8[%scan3A_21, %dma_wait3A] : memref<8x128xi32, #tpu.memory_space<vmem>> -> memref<1x128xi32, #tpu.memory_space<vmem>>
        %dma_wait3A_28 = tpu.memref_squeeze %dma_wait3A_27 : memref<1x128xi32, #tpu.memory_space<vmem>> -> memref<128xi32, #tpu.memory_space<vmem>>
        %dma_wait3A_29 = arith.constant 0 : i32
        %dma_wait3A_30 = arith.constant 0 : i32
        %dma_wait3A_31 = tpu.memref_slice %arg2[%dma_wait3A_29, %dma_wait3A_30] : memref<10000x128xf32, #tpu.memory_space<hbm>> -> memref<10000x128xf32, #tpu.memory_space<hbm>>
        tpu.wait_indirect_dma semaphore(%arg11 : memref<!tpu.dma_semaphore, #tpu.memory_space<semaphore_mem>>) src(%dma_wait3A_31 : memref<10000x128xf32, #tpu.memory_space<hbm>>) dst(%arg10 : memref<128x128xf32, #tpu.memory_space<vmem>>)
        "tpu.region"() ({
          %run_scoped3A = tpu.sem_alloc : memref<!tpu.dma_semaphore, #tpu.memory_space<semaphore_mem>>
          %dma_start3A_32 = arith.constant 0 : i32
          %dma_start3A_33 = tpu.memref_slice %arg9[%scan3A_21, %dma_start3A_32] : memref<8x128xi32, #tpu.memory_space<vmem>> -> memref<1x128xi32, #tpu.memory_space<vmem>>
          %dma_start3A_34 = tpu.memref_squeeze %dma_start3A_33 : memref<1x128xi32, #tpu.memory_space<vmem>> -> memref<128xi32, #tpu.memory_space<vmem>>
          %dma_start3A_35 = arith.constant 0 : i32
          %dma_start3A_36 = arith.constant 0 : i32
          %dma_start3A_37 = tpu.memref_slice %arg7[%dma_start3A_35, %dma_start3A_36] : memref<10112x128xf32, #tpu.memory_space<vmem_shared>> -> memref<10112x128xf32, #tpu.memory_space<vmem_shared>>
          tpu.enqueue_indirect_dma source(%arg10 : memref<128x128xf32, #tpu.memory_space<vmem>>) target(%dma_start3A_37 : memref<10112x128xf32, #tpu.memory_space<vmem_shared>>) offsets(%dma_start3A_34 : memref<128xi32, #tpu.memory_space<vmem>>) semaphore(%run_scoped3A : memref<!tpu.dma_semaphore, #tpu.memory_space<semaphore_mem>>) {add = true}
          %dma_wait3A_38 = arith.constant 0 : i32
          %dma_wait3A_39 = tpu.memref_slice %arg9[%scan3A_21, %dma_wait3A_38] : memref<8x128xi32, #tpu.memory_space<vmem>> -> memref<1x128xi32, #tpu.memory_space<vmem>>
          %dma_wait3A_40 = tpu.memref_squeeze %dma_wait3A_39 : memref<1x128xi32, #tpu.memory_space<vmem>> -> memref<128xi32, #tpu.memory_space<vmem>>
          %dma_wait3A_41 = arith.constant 0 : i32
          %dma_wait3A_42 = arith.constant 0 : i32
          %dma_wait3A_43 = tpu.memref_slice %arg7[%dma_wait3A_41, %dma_wait3A_42] : memref<10112x128xf32, #tpu.memory_space<vmem_shared>> -> memref<10112x128xf32, #tpu.memory_space<vmem_shared>>
          tpu.wait_indirect_dma semaphore(%run_scoped3A : memref<!tpu.dma_semaphore, #tpu.memory_space<semaphore_mem>>) src(%arg10 : memref<128x128xf32, #tpu.memory_space<vmem>>) dst(%dma_wait3A_43 : memref<10112x128xf32, #tpu.memory_space<vmem_shared>>)
          tpu.yield
        }) : () -> ()
      }
      %scan3A_20 = arith.constant 8 : i32
    }
    %scan3A_5 = arith.constant 20 : i32
    %barrier3A_6 = arith.constant 0 : index
    tpu.barrier barrier_id(%barrier3A_6)
    %mul3A_7 = arith.constant 632 : i32
    %mul3A_8 = arith.muli %arg1, %mul3A_7 : i32
    %mul3A_9 = arith.constant 632 : i32
    %mul3A_10 = arith.muli %arg1, %mul3A_9 : i32
    "tpu.region"() ({
      %run_scoped3A = tpu.sem_alloc : memref<!tpu.dma_semaphore, #tpu.memory_space<semaphore_mem>>
      %dma_start3A = arith.constant 0 : i32
      %dma_start3A_11 = tpu.memref_slice %arg6[%mul3A_10, %dma_start3A] : memref<10112x128xf32, #tpu.memory_space<hbm>> -> memref<632x128xf32, #tpu.memory_space<hbm>>
      %dma_start3A_12 = arith.constant 0 : i32
      %dma_start3A_13 = tpu.memref_slice %arg7[%mul3A_8, %dma_start3A_12] : memref<10112x128xf32, #tpu.memory_space<vmem_shared>> -> memref<632x128xf32, #tpu.memory_space<vmem_shared>>
      tpu.enqueue_dma source(%dma_start3A_13 : memref<632x128xf32, #tpu.memory_space<vmem_shared>>) target(%dma_start3A_11 : memref<632x128xf32, #tpu.memory_space<hbm>>) target_semaphore(%run_scoped3A : memref<!tpu.dma_semaphore, #tpu.memory_space<semaphore_mem>>)
      %dma_wait3A = arith.constant 0 : i32
      %dma_wait3A_14 = tpu.memref_slice %arg6[%mul3A_10, %dma_wait3A] : memref<10112x128xf32, #tpu.memory_space<hbm>> -> memref<632x128xf32, #tpu.memory_space<hbm>>
      %dma_wait3A_15 = arith.constant 0 : i32
      %dma_wait3A_16 = tpu.memref_slice %arg7[%mul3A_8, %dma_wait3A_15] : memref<10112x128xf32, #tpu.memory_space<vmem_shared>> -> memref<632x128xf32, #tpu.memory_space<vmem_shared>>
      tpu.wait_dma2 semaphore(%run_scoped3A : memref<!tpu.dma_semaphore, #tpu.memory_space<semaphore_mem>>) src(%dma_wait3A_16 : memref<632x128xf32, #tpu.memory_space<vmem_shared>>) dst(%dma_wait3A_14 : memref<632x128xf32, #tpu.memory_space<hbm>>)
      tpu.yield
    }) : () -> ()
    return
  }
}

module attributes {stable_mosaic.version = 14 : i64} {
  func.func @_mm_scale_body(%arg0: i32, %arg1: memref<1000x128xf32, #tpu.memory_space<vmem>>, %arg2: memref<128x128xf32, #tpu.memory_space<vmem>>, %arg3: memref<1000x128xf32, #tpu.memory_space<vmem>>, %arg4: memref<1000x128xf32, #tpu.memory_space<vmem>>, %arg5: memref<1000x128xf32, #tpu.memory_space<vmem>>) attributes {dimension_semantics = [#tpu.dimension_semantics<arbitrary>], iteration_bounds = array<i64: 10>, scalar_prefetch = 0 : i64, scratch_operands = 0 : i64, tpu.core_type = #tpu.core_type<tc>, window_params = [{transform_indices = @transform_0, window_bounds = array<i64: 1000, 128>}, {pipeline_mode = #tpu.pipeline_mode<synchronous>, transform_indices = @transform_1, window_bounds = array<i64: 128, 128>}, {transform_indices = @transform_2, window_bounds = array<i64: 1000, 128>}, {transform_indices = @transform_3, window_bounds = array<i64: 1000, 128>}, {transform_indices = @transform_4, window_bounds = array<i64: 1000, 128>}]} {
    %get3A = arith.constant 0 : index
    %get3A_0 = arith.constant 0 : index
    %get3A_1 = vector.load %arg3[%get3A, %get3A_0] : memref<1000x128xf32, #tpu.memory_space<vmem>>, vector<1000x1xf32>
    %get3A_2 = arith.constant 0 : index
    %get3A_3 = arith.constant 0 : index
    %get3A_4 = vector.load %arg4[%get3A_2, %get3A_3] : memref<1000x128xf32, #tpu.memory_space<vmem>>, vector<1000x1xf32>
    %add3A = arith.addf %get3A_1, %get3A_4 : vector<1000x1xf32>
    %add3A_5 = arith.constant 1.000000e+00 : f32
    %add3A_6 = vector.broadcast %add3A_5 : f32 to vector<1000x1xf32>
    %add3A_7 = arith.addf %add3A, %add3A_6 : vector<1000x1xf32>
    %rsqrt3A = math.rsqrt %add3A_7 : vector<1000x1xf32>
    %get3A_8 = arith.constant 0 : index
    %get3A_9 = arith.constant 0 : index
    %get3A_10 = vector.load %arg1[%get3A_8, %get3A_9] : memref<1000x128xf32, #tpu.memory_space<vmem>>, vector<1000x128xf32>
    %get3A_11 = arith.constant 0 : index
    %get3A_12 = arith.constant 0 : index
    %get3A_13 = vector.load %arg2[%get3A_11, %get3A_12] : memref<128x128xf32, #tpu.memory_space<vmem>>, vector<128x128xf32>
    %dot_general3A = arith.constant dense<0.000000e+00> : vector<1000x128xf32>
    %dot_general3A_14 = tpu.matmul %get3A_10, %get3A_13, %dot_general3A {dimension_numbers = #tpu.dot_dimension_numbers<[1], [0], [0], [1], [0, 0, 1, 1], [], []>, transpose_lhs_hint = false} : vector<1000x128xf32>, vector<128x128xf32>, vector<1000x128xf32> -> vector<1000x128xf32>
    %mul3A = vector.broadcast %rsqrt3A : vector<1000x1xf32> to vector<1000x128xf32>
    %mul3A_15 = arith.mulf %dot_general3A_14, %mul3A : vector<1000x128xf32>
    %swap3A = arith.constant 0 : index
    %swap3A_16 = arith.constant 0 : index
    %swap3A_17 = vector.load %arg5[%swap3A, %swap3A_16] : memref<1000x128xf32, #tpu.memory_space<vmem>>, vector<1000x128xf32>
    tpu.vector_store %arg5[%swap3A, %swap3A_16], %mul3A_15 {strides = array<i32>} : memref<1000x128xf32, #tpu.memory_space<vmem>>, vector<1000x128xf32>,
    return
  }
  func.func @transform_0(%arg0: i32) -> (i32, i32) {
    %c0_i32 = arith.constant 0 : i32
    %c0_i32_0 = arith.constant 0 : i32
    return %arg0, %c0_i32 : i32, i32
  }
  func.func @transform_1(%arg0: i32) -> (i32, i32) {
    %c0_i32 = arith.constant 0 : i32
    %c0_i32_0 = arith.constant 0 : i32
    %c0_i32_1 = arith.constant 0 : i32
    return %c0_i32, %c0_i32_0 : i32, i32
  }
  func.func @transform_2(%arg0: i32) -> (i32, i32) {
    %c0_i32 = arith.constant 0 : i32
    %c0_i32_0 = arith.constant 0 : i32
    return %arg0, %c0_i32 : i32, i32
  }
  func.func @transform_3(%arg0: i32) -> (i32, i32) {
    %c0_i32 = arith.constant 0 : i32
    %c0_i32_0 = arith.constant 0 : i32
    return %arg0, %c0_i32 : i32, i32
  }
  func.func @transform_4(%arg0: i32) -> (i32, i32) {
    %c0_i32 = arith.constant 0 : i32
    %c0_i32_0 = arith.constant 0 : i32
    return %arg0, %c0_i32 : i32, i32
  }
}

module attributes {stable_mosaic.version = 14 : i64} {
  func.func @_comb_mm_body(%arg0: i32, %arg1: memref<1000x128xf32, #tpu.memory_space<vmem>>, %arg2: memref<1000x128xf32, #tpu.memory_space<vmem>>, %arg3: memref<1000x128xf32, #tpu.memory_space<vmem>>, %arg4: memref<1000x128xf32, #tpu.memory_space<vmem>>, %arg5: memref<128x128xf32, #tpu.memory_space<vmem>>, %arg6: memref<1000x128xf32, #tpu.memory_space<vmem>>) attributes {dimension_semantics = [#tpu.dimension_semantics<arbitrary>], iteration_bounds = array<i64: 10>, scalar_prefetch = 0 : i64, scratch_operands = 0 : i64, tpu.core_type = #tpu.core_type<tc>, window_params = [{transform_indices = @transform_0, window_bounds = array<i64: 1000, 128>}, {transform_indices = @transform_1, window_bounds = array<i64: 1000, 128>}, {transform_indices = @transform_2, window_bounds = array<i64: 1000, 128>}, {transform_indices = @transform_3, window_bounds = array<i64: 1000, 128>}, {pipeline_mode = #tpu.pipeline_mode<synchronous>, transform_indices = @transform_4, window_bounds = array<i64: 128, 128>}, {transform_indices = @transform_5, window_bounds = array<i64: 1000, 128>}]} {
    %get3A = arith.constant 0 : index
    %get3A_0 = arith.constant 0 : index
    %get3A_1 = vector.load %arg3[%get3A, %get3A_0] : memref<1000x128xf32, #tpu.memory_space<vmem>>, vector<1000x1xf32>
    %get3A_2 = arith.constant 0 : index
    %get3A_3 = arith.constant 0 : index
    %get3A_4 = vector.load %arg4[%get3A_2, %get3A_3] : memref<1000x128xf32, #tpu.memory_space<vmem>>, vector<1000x1xf32>
    %add3A = arith.addf %get3A_1, %get3A_4 : vector<1000x1xf32>
    %add3A_5 = arith.constant 1.000000e+00 : f32
    %add3A_6 = vector.broadcast %add3A_5 : f32 to vector<1000x1xf32>
    %add3A_7 = arith.addf %add3A, %add3A_6 : vector<1000x1xf32>
    %rsqrt3A = math.rsqrt %add3A_7 : vector<1000x1xf32>
    %get3A_8 = arith.constant 0 : index
    %get3A_9 = arith.constant 0 : index
    %get3A_10 = vector.load %arg1[%get3A_8, %get3A_9] : memref<1000x128xf32, #tpu.memory_space<vmem>>, vector<1000x128xf32>
    %get3A_11 = arith.constant 0 : index
    %get3A_12 = arith.constant 0 : index
    %get3A_13 = vector.load %arg2[%get3A_11, %get3A_12] : memref<1000x128xf32, #tpu.memory_space<vmem>>, vector<1000x128xf32>
    %add3A_14 = arith.addf %get3A_10, %get3A_13 : vector<1000x128xf32>
    %mul3A = vector.broadcast %rsqrt3A : vector<1000x1xf32> to vector<1000x128xf32>
    %mul3A_15 = arith.mulf %mul3A, %add3A_14 : vector<1000x128xf32>
    %max3A = arith.constant 0.000000e+00 : f32
    %max3A_16 = vector.broadcast %max3A : f32 to vector<1000x128xf32>
    %max3A_17 = arith.maximumf %mul3A_15, %max3A_16 : vector<1000x128xf32>
    %get3A_18 = arith.constant 0 : index
    %get3A_19 = arith.constant 0 : index
    %get3A_20 = vector.load %arg5[%get3A_18, %get3A_19] : memref<128x128xf32, #tpu.memory_space<vmem>>, vector<128x128xf32>
    %dot_general3A = arith.constant dense<0.000000e+00> : vector<1000x128xf32>
    %dot_general3A_21 = tpu.matmul %max3A_17, %get3A_20, %dot_general3A {dimension_numbers = #tpu.dot_dimension_numbers<[1], [0], [0], [1], [0, 0, 1, 1], [], []>, transpose_lhs_hint = false} : vector<1000x128xf32>, vector<128x128xf32>, vector<1000x128xf32> -> vector<1000x128xf32>
    %mul3A_22 = vector.broadcast %rsqrt3A : vector<1000x1xf32> to vector<1000x128xf32>
    %mul3A_23 = arith.mulf %dot_general3A_21, %mul3A_22 : vector<1000x128xf32>
    %swap3A = arith.constant 0 : index
    %swap3A_24 = arith.constant 0 : index
    %swap3A_25 = vector.load %arg6[%swap3A, %swap3A_24] : memref<1000x128xf32, #tpu.memory_space<vmem>>, vector<1000x128xf32>
    tpu.vector_store %arg6[%swap3A, %swap3A_24], %mul3A_23 {strides = array<i32>} : memref<1000x128xf32, #tpu.memory_space<vmem>>, vector<1000x128xf32>,
    return
  }
  func.func @transform_0(%arg0: i32) -> (i32, i32) {
    %c0_i32 = arith.constant 0 : i32
    %c0_i32_0 = arith.constant 0 : i32
    return %arg0, %c0_i32 : i32, i32
  }
  func.func @transform_1(%arg0: i32) -> (i32, i32) {
    %c0_i32 = arith.constant 0 : i32
    %c0_i32_0 = arith.constant 0 : i32
    return %arg0, %c0_i32 : i32, i32
  }
  func.func @transform_2(%arg0: i32) -> (i32, i32) {
    %c0_i32 = arith.constant 0 : i32
    %c0_i32_0 = arith.constant 0 : i32
    return %arg0, %c0_i32 : i32, i32
  }
  func.func @transform_3(%arg0: i32) -> (i32, i32) {
    %c0_i32 = arith.constant 0 : i32
    %c0_i32_0 = arith.constant 0 : i32
    return %arg0, %c0_i32 : i32, i32
  }
  func.func @transform_4(%arg0: i32) -> (i32, i32) {
    %c0_i32 = arith.constant 0 : i32
    %c0_i32_0 = arith.constant 0 : i32
    %c0_i32_1 = arith.constant 0 : i32
    return %c0_i32, %c0_i32_0 : i32, i32
  }
  func.func @transform_5(%arg0: i32) -> (i32, i32) {
    %c0_i32 = arith.constant 0 : i32
    %c0_i32_0 = arith.constant 0 : i32
    return %arg0, %c0_i32 : i32, i32
  }
}

module attributes {stable_mosaic.version = 14 : i64} {
  func.func @_final_body(%arg0: i32, %arg1: memref<1000x128xf32, #tpu.memory_space<vmem>>, %arg2: memref<1000x128xf32, #tpu.memory_space<vmem>>, %arg3: memref<1000x128xf32, #tpu.memory_space<vmem>>, %arg4: memref<1000x128xf32, #tpu.memory_space<vmem>>, %arg5: memref<1x128xf32, #tpu.memory_space<vmem>>, %arg6: memref<1000x128xf32, #tpu.memory_space<vmem>>) attributes {dimension_semantics = [#tpu.dimension_semantics<arbitrary>], iteration_bounds = array<i64: 10>, scalar_prefetch = 0 : i64, scratch_operands = 0 : i64, tpu.core_type = #tpu.core_type<tc>, window_params = [{transform_indices = @transform_0, window_bounds = array<i64: 1000, 128>}, {transform_indices = @transform_1, window_bounds = array<i64: 1000, 128>}, {transform_indices = @transform_2, window_bounds = array<i64: 1000, 128>}, {transform_indices = @transform_3, window_bounds = array<i64: 1000, 128>}, {pipeline_mode = #tpu.pipeline_mode<synchronous>, transform_indices = @transform_4, window_bounds = array<i64: 1, 128>}, {transform_indices = @transform_5, window_bounds = array<i64: 1000, 128>}]} {
    %get3A = arith.constant 0 : index
    %get3A_0 = arith.constant 0 : index
    %get3A_1 = vector.load %arg3[%get3A, %get3A_0] : memref<1000x128xf32, #tpu.memory_space<vmem>>, vector<1000x1xf32>
    %get3A_2 = arith.constant 0 : index
    %get3A_3 = arith.constant 0 : index
    %get3A_4 = vector.load %arg4[%get3A_2, %get3A_3] : memref<1000x128xf32, #tpu.memory_space<vmem>>, vector<1000x1xf32>
    %add3A = arith.addf %get3A_1, %get3A_4 : vector<1000x1xf32>
    %add3A_5 = arith.constant 1.000000e+00 : f32
    %add3A_6 = vector.broadcast %add3A_5 : f32 to vector<1000x1xf32>
    %add3A_7 = arith.addf %add3A, %add3A_6 : vector<1000x1xf32>
    %rsqrt3A = math.rsqrt %add3A_7 : vector<1000x1xf32>
    %get3A_8 = arith.constant 0 : index
    %get3A_9 = arith.constant 0 : index
    %get3A_10 = vector.load %arg1[%get3A_8, %get3A_9] : memref<1000x128xf32, #tpu.memory_space<vmem>>, vector<1000x128xf32>
    %get3A_11 = arith.constant 0 : index
    %get3A_12 = arith.constant 0 : index
    %get3A_13 = vector.load %arg2[%get3A_11, %get3A_12] : memref<1000x128xf32, #tpu.memory_space<vmem>>, vector<1000x128xf32>
    %add3A_14 = arith.addf %get3A_10, %get3A_13 : vector<1000x128xf32>
    %mul3A = vector.broadcast %rsqrt3A : vector<1000x1xf32> to vector<1000x128xf32>
    %mul3A_15 = arith.mulf %mul3A, %add3A_14 : vector<1000x128xf32>
    %get3A_16 = arith.constant 0 : index
    %get3A_17 = arith.constant 0 : index
    %get3A_18 = vector.load %arg5[%get3A_16, %get3A_17] : memref<1x128xf32, #tpu.memory_space<vmem>>, vector<1x128xf32>
    %add3A_19 = vector.broadcast %get3A_18 : vector<1x128xf32> to vector<1000x128xf32>
    %add3A_20 = arith.addf %mul3A_15, %add3A_19 : vector<1000x128xf32>
    %swap3A = arith.constant 0 : index
    %swap3A_21 = arith.constant 0 : index
    %swap3A_22 = vector.load %arg6[%swap3A, %swap3A_21] : memref<1000x128xf32, #tpu.memory_space<vmem>>, vector<1000x128xf32>
    tpu.vector_store %arg6[%swap3A, %swap3A_21], %add3A_20 {strides = array<i32>} : memref<1000x128xf32, #tpu.memory_space<vmem>>, vector<1000x128xf32>,
    return
  }
  func.func @transform_0(%arg0: i32) -> (i32, i32) {
    %c0_i32 = arith.constant 0 : i32
    %c0_i32_0 = arith.constant 0 : i32
    return %arg0, %c0_i32 : i32, i32
  }
  func.func @transform_1(%arg0: i32) -> (i32, i32) {
    %c0_i32 = arith.constant 0 : i32
    %c0_i32_0 = arith.constant 0 : i32
    return %arg0, %c0_i32 : i32, i32
  }
  func.func @transform_2(%arg0: i32) -> (i32, i32) {
    %c0_i32 = arith.constant 0 : i32
    %c0_i32_0 = arith.constant 0 : i32
    return %arg0, %c0_i32 : i32, i32
  }
  func.func @transform_3(%arg0: i32) -> (i32, i32) {
    %c0_i32 = arith.constant 0 : i32
    %c0_i32_0 = arith.constant 0 : i32
    return %arg0, %c0_i32 : i32, i32
  }
  func.func @transform_4(%arg0: i32) -> (i32, i32) {
    %c0_i32 = arith.constant 0 : i32
    %c0_i32_0 = arith.constant 0 : i32
    %c0_i32_1 = arith.constant 0 : i32
    return %c0_i32, %c0_i32_0 : i32, i32
  }
  func.func @transform_5(%arg0: i32) -> (i32, i32) {
    %c0_i32 = arith.constant 0 : i32
    %c0_i32_0 = arith.constant 0 : i32
    return %arg0, %c0_i32 : i32, i32
  }
}

</mosaic_0001>

<sc_bundles>
// kernel: kernel.11.cloned.1.call-start
scs
__scs_entry_jumppad:
0x0: {  	(pc) =	sbr.rel $0x88, $3  }
0x1: {  	(tag) =	ssettag $0x0;
	lr =	simm.s32 $0x1  }
0x2: {  	[smem:$0x3F9C] =	sst lr;
	_ =	strace $0xD0000000  }
0x3: {  	_ = 	snop  }
0x4: {  	_ = 	snop  }
0x5: {  	_ = 	snop  }
0x6: {  	_ = 	snop  }
0x7: {  	_ = 	snop  }
__scs_overlays_trampoline_lowered:
0x8: {  	[smem:$0x3FAB] =	sst s0  }
0x9: {  	[smem:$0x3FAC] =	sst s1  }
0xa: {  	[smem:$0x3FAD] =	sst s2  }
0xb: {  	[smem:$0x3FAE] =	sst s3  }
0xc: {  	[smem:$0x3FAF] =	sst s4  }
0xd: {  	[smem:$0x3FB0] =	sst s5  }
0xe: {  	[smem:$0x3FB1] =	sst s6  }
0xf: {  	[smem:$0x3FB2] =	sst s7  }
0x10: {  	[smem:$0x3FB3] =	sst s8  }
0x11: {  	[smem:$0x3FB4] =	sst s9;
	s0 =	simm.s32 @!p0 $0x0  }
0x12: {  	s1 =	sld [smem:$0x3F9A];
	s0 =	simm.s32 @p0 $0x1  }
0x13: {  	[smem:$0x3FB5] =	sst s0;
	s0 =	simm.s32 @!p1 $0x0  }
0x14: {  	s2 =	sld [smem:$0x3F99];
	s0 =	simm.s32 @p1 $0x1  }
0x15: {  	[smem:$0x3FB6] =	sst s0;
	s0 =	simm.s32 @!p2 $0x0  }
0x16: {  	s3 =	sld [smem:$0x3FDB];
	s0 =	simm.s32 @p2 $0x1  }
0x17: {  	s4 =	simm.s32 $0x1BF5;
	[smem:$0x3FB8] =	sst s0  }
0x18: {  	s0 =	sld [smem:$0x3F9B];
	_ =	swait.ge [sflag:s4], $0x0  }
0x19: {  	s7 =	sld [smem:$0x3F9C]  }
0x1a: {  	s8 =	sadd.s32 $0xFFFFE003, lr  }
0x1b: {  	s9 =	sadd.s32 $0xFFFFFEF7, lr;
	s5 =	simm.s32 $0xFFFFFFFF;
	p2 =	slt.u32 s8, $0xFFFFF086  }
0x1c: {  	p1 =	slt.u32 s9, $0xF7A;
	s5 =	simm.s32 @!p2 $0x0  }
0x1d: {  	s5 =	simm.s32 @p1 $0x1;
	p0 =	seq.s32 s7, s2  }
0x1e: {  	s7 =	smul.u32 @!p0 $0xF7A, s2;
	p2 =	seq.s32 @!p0 s5, $0x0  }
0x1f: {  	s9 =	smul.u32 $0xF7A, s1;
	s8 =	simm.s32 @!p0 $0x1BF5;
	p2 =	por !p2, p0  }
0x20: {  	[sflag:s8] =	ssyncset.s32 @!p0 $0xFFFFF086;
	s6 =	sadd.s32 @!p0 s3, s7;
	s7 =	simm.s32 @!p0 $0x108  }
0x21: {  	s3 =	sadd.s32 s3, s9;
	s6 =	sadd.s32 @!p0 $0x88, s6;
	s7 =	simm.s32 @p2 $0x1082  }
0x22: {  	[simem:s7], [sflag:s8] =	dma.local @!p0 [hbm:s6], $0xF7A  }
0x23: {  	s9 =	sor.u32 $0xD0000000, s2;
	s6 =	simm.s32 $0x108;
	_ =	swait.ge @!p0 [sflag:s8], $0x0  }
0x24: {  	s3 =	sadd.s32 $0x88, s3;
	s6 =	simm.s32 @!p1 $0x1082;
	[sflag:s4] =	ssyncset.s32 $0xFFFFF086  }
0x25: {  	[simem:s6], [sflag:s4] =	dma.local [hbm:s3], $0xF7A  }
0x26: {  	[smem:$0x3F9C] =	sst s1;
	(tag) =	ssettag s2;
	_ =	strace s9  }
0x27: {  	s1 =	sld [smem:$0x3FAC]  }
0x28: {  	s2 =	sld [smem:$0x3FAD]  }
0x29: {  	s4 =	sld [smem:$0x3FAF]  }
0x2a: {  	p0 =	seq.s32 s5, $0x0;
	s5 =	sld [smem:$0x3FB0]  }
0x2b: {  	s6 =	sld [smem:$0x3FB1]  }
0x2c: {  	s7 =	sld [smem:$0x3FB2]  }
0x2d: {  	s3 =	simm.s32 $0x108;
	s8 =	sld [smem:$0x3FB3]  }
0x2e: {  	s3 =	simm.s32 @!p0 $0x1082;
	s9 =	sld [smem:$0x3FB4]  }
0x2f: {  	lr =	sadd.s32 s0, s3;
	s0 =	sld [smem:$0x3FAB]  }
0x30: {  	s3 =	sld [smem:$0x3FAE]  }
0x31: {  	[smem:$0x3FB7] =	sst s10  }
0x32: {  	s10 =	sld [smem:$0x3FB5];
	_ =	sdelay $0x3  }
0x33: {  	p0 =	seq.s32 s10, $0x1;
	s10 =	sld [smem:$0x3FB7];
	_ =	sdelay $0x3  }
0x34: {  	[smem:$0x3FB7] =	sst s10  }
0x35: {  	s10 =	sld [smem:$0x3FB6];
	_ =	sdelay $0x3  }
0x36: {  	p1 =	seq.s32 s10, $0x1;
	s10 =	sld [smem:$0x3FB7];
	_ =	sdelay $0x3  }
0x37: {  	[smem:$0x3FB7] =	sst s10  }
0x38: {  	s10 =	sld [smem:$0x3FB8]  }
0x39: {  	_ = 	snop;
	(pc) =	sbr.ind lr, $3  }
0x3a: {  	_ = 	snop  }
0x3b: {  	_ = 	snop  }
0x3c: {  	p2 =	seq.s32 s10, $0x1;
	s10 =	sld [smem:$0x3FB7]  }
0x3d: {  	_ =	shalt  }
0x3e: {  	_ =	shalt  }
0x3f: {  	_ =	shalt  }
0x40: {  	_ =	shalt  }
0x41: {  	_ =	shalt  }
0x42: {  	_ =	shalt  }
0x43: {  	_ =	shalt  }
0x44: {  	_ =	shalt  }
0x45: {  	_ =	shalt  }
0x46: {  	_ =	shalt  }
0x47: {  	_ =	shalt  }
0x48: {  	_ =	shalt  }
0x49: {  	_ =	shalt  }
0x4a: {  	_ =	shalt  }
0x4b: {  	_ =	shalt  }
0x4c: {  	_ =	shalt  }
0x4d: {  	_ =	shalt  }
0x4e: {  	_ =	shalt  }
0x4f: {  	_ =	shalt  }
0x50: {  	_ =	shalt  }
0x51: {  	_ =	shalt  }
0x52: {  	_ =	shalt  }
0x53: {  	_ =	shalt  }
0x54: {  	_ =	shalt  }
0x55: {  	_ =	shalt  }
0x56: {  	_ =	shalt  }
0x57: {  	_ =	shalt  }
0x58: {  	_ =	shalt  }
0x59: {  	_ =	shalt  }
0x5a: {  	_ =	shalt  }
0x5b: {  	_ =	shalt  }
0x5c: {  	_ =	shalt  }
0x5d: {  	_ =	shalt  }
0x5e: {  	_ =	shalt  }
0x5f: {  	_ =	shalt  }
0x60: {  	_ =	shalt  }
0x61: {  	_ =	shalt  }
0x62: {  	_ =	shalt  }
0x63: {  	_ =	shalt  }
0x64: {  	_ =	shalt  }
0x65: {  	_ =	shalt  }
0x66: {  	_ =	shalt  }
0x67: {  	_ =	shalt  }
0x68: {  	_ =	shalt  }
0x69: {  	_ =	shalt  }
0x6a: {  	_ =	shalt  }
0x6b: {  	_ =	shalt  }
0x6c: {  	_ =	shalt  }
0x6d: {  	_ =	shalt  }
0x6e: {  	_ =	shalt  }
0x6f: {  	_ =	shalt  }
0x70: {  	_ =	shalt  }
0x71: {  	_ =	shalt  }
0x72: {  	_ =	shalt  }
0x73: {  	_ =	shalt  }
0x74: {  	_ =	shalt  }
0x75: {  	_ =	shalt  }
0x76: {  	_ =	shalt  }
0x77: {  	_ =	shalt  }
0x78: {  	_ =	shalt  }
0x79: {  	_ =	shalt  }
0x7a: {  	_ =	shalt  }
0x7b: {  	_ =	shalt  }
0x7c: {  	_ =	shalt  }
0x7d: {  	_ =	shalt  }
0x7e: {  	_ =	shalt  }
0x7f: {  	_ =	shalt  }
0x80: {  	_ =	shalt  }
0x81: {  	_ =	shalt  }
0x82: {  	_ =	shalt  }
0x83: {  	_ =	shalt  }
0x84: {  	_ =	shalt  }
0x85: {  	_ =	shalt  }
0x86: {  	_ =	shalt  }
0x87: {  	_ =	shalt  }
.Lfunc_end0:
.L_simem_size_0:
called_computation.1_lowered:
.L_overlay_start_0:
0x88: {  	s0 =	sld [smem:$0x3FD9]  }
0x89: {  	s1 =	sld [smem:$0x3FFE];
	_ =	sdelay $0x3  }
0x8a: {  	s0 =	sadd.s32 s1, s0  }
0x8b: {  	[smem:$0x3FC3] =	sst s0  }
0x8c: {  	_ = 	snop  }
0x8d: {  	s0 =	sld [smem:$0x3FD0];
	(tm) =	ssettm $0x1  }
0x8e: {  	s16 =	sld [smem:$0x3FFB];
	_ =	sdelay $0x3  }
0x8f: {  	_ =	strace s16  }
0x90: {  	s1 =	sld [smem:$0x3FFC];
	_ =	sdelay $0x3  }
0x91: {  	_ =	strace s1  }
0x92: {  	s1 =	sld [smem:$0x3FFD];
	_ =	sdelay $0x3  }
0x93: {  	_ =	strace s1  }
0x94: {  	_ =	strace $0x8FFFFFFF  }
0x95: {  	s17 =	sld [smem:$0x3FDB];
	_ =	sdelay $0x1  }
0x96: {  	s2 =	simm.s32 $_scs_section_size  }
0x97: {  	s3 =	simm.s32 $_size__tile_overlayer_lowered;
	s4 =	simm.s32 $_tile_overlayer_lowered  }
0x98: {  	s20 =	simm.s32 $0x1BFF;
	s19 =	sshll.u32 s4, $0x1;
	s1 =	sadd.s32 s2, s17  }
0x99: {  	s5 =	simm.s32 $0x0;
	s18 =	sshll.u32 s3, $0x1;
	s3 =	sadd.s32 s19, s1  }
0x9a: {  	[timem:s5], [sflag:s20] =	dma.local [hbm:s3], s18  }
0x9b: {  	_ =	swait.ge [sflag:s20], s18  }
0x9c: {  	s2 =	ssub.s32 $0x0, s18;
	[sflag:s20] =	ssyncset.done $0x0  }
0x9d: {  	[sflag:s20] =	ssyncadd.s32 s2;
	_ =	sdelay $0x1  }
0x9e: {  	s21 =	simm.s32 $0x1B8B  }
0x9f: {  	_ =	swait.ge [sflag:s21], $0x1  }
0xa0: {  	[sflag:s21] =	ssyncset.done $0x0  }
0xa1: {  	s23 =	simm.s32 $0x1B8E;
	s22 =	sld [smem:$0x3FFE];
	[sflag:s21] =	ssyncadd.s32 $0xFFFFFFFF  }
0xa2: {  	s24 =	simm.s32 $execute0_lowered;
	[smem:$0x3FD2] =	sst s23  }
0xa3: {  	s3 =	sshll.u32 s24, $0x1;
	_ =	strace $0x80000049;
	[dreg:$0x1] =	wrdreg $0xFFFFFFFF  }
0xa4: {  	s25 =	simm.s32 $_size_execute0_lowered;
	s1 =	sadd.s32 s1, s3;
	[dreg:$0x0] =	wrdreg $0x0  }
0xa5: {  	s3 =	sshll.u32 s25, $0x1;
	[dreg:$0x2] =	wrdreg s1  }
0xa6: {  	[dreg:$0x3] =	wrdreg s3  }
0xa7: {  	[dreg:$0x4] =	wrdreg $0xC0  }
0xa8: {  	_ =	task [dreg:s5], $0x5FFFF  }
0xa9: {  	[dreg:$0x1] =	wrdreg $0xFFFFFFFF  }
0xaa: {  	[dreg:$0x0] =	wrdreg $0x60  }
0xab: {  	[dreg:$0x2] =	wrdreg s0  }
0xac: {  	[dreg:$0x3] =	wrdreg s22  }
0xad: {  	[dreg:$0x4] =	wrdreg $0x0  }
0xae: {  	[dreg:$0x5] =	wrdreg $0x9  }
0xaf: {  	_ =	task.clear_ibuf [dreg:s5], $0x6FFFF;
	_ =	strace $0x90000049  }
0xb0: {  	s26 =	simm.s32 $0x9;
	_ =	strace $0x8000004B  }
0xb1: {  	_ =	swait.ge [sflag:s26], $0x1  }
0xb2: {  	[sflag:s26] =	ssyncadd.s32 $0xFFFFFFFF  }
0xb3: {  	_ =	strace $0x9000004B  }
0xb4: {  	_ =	sfence  }
0xb5: {  	s28 =	sld [smem:$0x0];
	_ =	sdelay $0x1  }
0xb6: {  	s29 =	srdreg.scid  }
0xb7: {  	s30 =	sshll.u32 s29, $0xD;
	s31 =	sshrl.u32 s29, $0x2  }
0xb8: {  	s2 =	sand.u32 $0x4000, s30;
	s1 =	sand.u32 $0x1, s29;
	s0 =	sadd.s32 s31, s28  }
0xb9: {  	s1 =	sor.u32 s2, s1;
	s0 =	sshll.u32 s0, $0x11  }
0xba: {  	s0 =	sor.u32 s0, s1  }
0xbb: {  	s0 =	sadd.s32 $0x8F2B, s0  }
0xbc: {  	[sflag:s0] =	ssyncadd.remote.s32 $0x1  }
0xbd: {  	_ =	sfence.sel $0xFFFF  }
0xbe: {  	[dreg:$0x0] =	wrdreg $0xFFFFFFFF;
	(pc) =	sbr.abs _section_cstart, $3  }
0xbf: {  	[dreg:$0x1] =	wrdreg $0xFFFFFFFF  }
0xc0: {  	_ =	task.clear_ibuf [dreg:s5], $0x2FFFF;
	_ =	strace $0x9FFFFFFF  }
0xc1: {  	(tm) =	ssettm $0x7FFFFFFF  }
tec
execute0_lowered:
.L_overlay_start_1:
0x0: {  	(tag) =	ssettag $0x1  }
0x1: {  	s3 =	rddreg [dreg:$0x0];
	s1 =	stileid.u32  }
0x2: {  	s0 =	rddreg [dreg:$0x1];
	s4 =	smul.u32 $0x4F000, s1  }
0x3: {  	s2 =	rddreg [dreg:$0x2];
	s10 =	simm.s32 $0x0  }
0x4: {  	[smem:$0x7FF] =	sst s10;
	s26 =	sshll.u32 s1, $0x6;
	s4 =	sshrl.u32 s4, $0x2  }
0x5: {  	s6 =	sadd.s32 $0xD400, s0;
	s5 =	sadd.s32 s4, s2;
	s4 =	sor.u32 $0x1C02, s26  }
0x6: {  	_ =	strace $0x8000004A;
	s5 =	sshrl.u32 s5, $0x3;
	[dreg:$0x4] =	wrdreg s4  }
0x7: {  	[spmem:s5], [sflag:s4] =	dma.local [hbm:s6], $0x2780  }
0x8: {  	s7 =	smul.u32 $0xA00, s1;
	s6 =	simm.s32 $0x2  }
0x9: {  	_ =	swait.ge [sflag:s6], $0x2780  }
0xa: {  	s7 =	sadd.s32 s7, s0;
	[sflag:s6] =	ssyncset.done $0x0  }
0xb: {  	s13 =	sadd.s32 $0x5EC00, s7;
	[sflag:s6] =	ssyncadd.s32 $0xFFFFD880  }
0xc: {  	s11 =	simm.s32 $0x13C00;
	s8 =	sadd.s32 $0x0, s13;
	[bflag:$0x0] =	sbarrier.arrive $0xFFFF  }
0xd: {  	[tilespmem:s11], [sflag:$0x2] =	stream.linear.gather [hbm4b:s8+s10], $0x400, $0x38;
	[tilespmem:$0x18400] =	vst v63  }
0xe: {  	_ =	swait.ge [sflag:s6], $0x400  }
0xf: {  	s14 =	sadd.s32 $0x3400, s7;
	[sflag:s6] =	ssyncset.done $0x0  }
0x10: {  	s12 =	simm.s32 $0x14000;
	s7 =	sadd.s32 $0x0, s14;
	[sflag:s6] =	ssyncadd.s32 $0xFFFFFC00  }
0x11: {  	[tilespmem:s12], [sflag:$0x2] =	stream.linear.gather [hbm4b:s7+s10], $0x400, $0x38;
	[tilespmem:$0x18400] =	vst v63  }
0x12: {  	_ =	swait.ge [sflag:s6], $0x400  }
0x13: {  	s9 =	simm.s32 $0x1;
	[sflag:s6] =	ssyncset.done $0x0  }
0x14: {  	s8 =	simm.s32 $0x14400;
	s7 =	simm.s32 $0x80;
	[sflag:s6] =	ssyncadd.s32 $0xFFFFFC00  }
0x15: {  	[tilespmem:s8], [sflag:$0x1] =	stream.indirect.gather [hbm4b:s3+s7], $0x80, s11, s7, $0xb8;
	[tilespmem:$0x18400] =	vst v63  }
0x16: {  	_ =	swait.ge [sflag:s9], $0x4000  }
0x17: {  	[sflag:s9] =	ssyncset.done $0x0  }
0x18: {  	[sflag:s9] =	ssyncadd.s32 $0xFFFFC000  }
0x19: {  	[spmem:s2] =	stream.indirect.scatter.add.f32 [tilespmem:s8], [sflag:$0x2], $0x80, s12, s7, $0xb8;
	[tilespmem:$0x18400] =	vst v63  }
0x1a: {  	_ =	swait.ge [sflag:s6], $0x4000  }
0x1b: {  	[sflag:s6] =	ssyncset.done $0x0  }
0x1c: {  	s15 =	simm.s32 $0x13C80;
	[sflag:s6] =	ssyncadd.s32 $0xFFFFC000  }
0x1d: {  	[tilespmem:s8], [sflag:$0x1] =	stream.indirect.gather [hbm4b:s3+s7], $0x80, s15, s7, $0xb8;
	[tilespmem:$0x18400] =	vst v63  }
0x1e: {  	_ =	swait.ge [sflag:s9], $0x4000  }
0x1f: {  	[sflag:s9] =	ssyncset.done $0x0  }
0x20: {  	s16 =	simm.s32 $0x14080;
	[sflag:s9] =	ssyncadd.s32 $0xFFFFC000  }
0x21: {  	[spmem:s2] =	stream.indirect.scatter.add.f32 [tilespmem:s8], [sflag:$0x2], $0x80, s16, s7, $0xb8;
	[tilespmem:$0x18400] =	vst v63  }
0x22: {  	_ =	swait.ge [sflag:s6], $0x4000  }
0x23: {  	[sflag:s6] =	ssyncset.done $0x0  }
0x24: {  	s17 =	simm.s32 $0x13D00;
	[sflag:s6] =	ssyncadd.s32 $0xFFFFC000  }
0x25: {  	[tilespmem:s8], [sflag:$0x1] =	stream.indirect.gather [hbm4b:s3+s7], $0x80, s17, s7, $0xb8;
	[tilespmem:$0x18400] =	vst v63  }
0x26: {  	_ =	swait.ge [sflag:s9], $0x4000  }
0x27: {  	[sflag:s9] =	ssyncset.done $0x0  }
0x28: {  	s18 =	simm.s32 $0x14100;
	[sflag:s9] =	ssyncadd.s32 $0xFFFFC000  }
0x29: {  	[spmem:s2] =	stream.indirect.scatter.add.f32 [tilespmem:s8], [sflag:$0x2], $0x80, s18, s7, $0xb8;
	[tilespmem:$0x18400] =	vst v63  }
0x2a: {  	_ =	swait.ge [sflag:s6], $0x4000  }
0x2b: {  	[sflag:s6] =	ssyncset.done $0x0  }
0x2c: {  	s19 =	simm.s32 $0x13D80;
	[sflag:s6] =	ssyncadd.s32 $0xFFFFC000  }
0x2d: {  	[tilespmem:s8], [sflag:$0x1] =	stream.indirect.gather [hbm4b:s3+s7], $0x80, s19, s7, $0xb8;
	[tilespmem:$0x18400] =	vst v63  }
0x2e: {  	_ =	swait.ge [sflag:s9], $0x4000  }
0x2f: {  	[sflag:s9] =	ssyncset.done $0x0  }
0x30: {  	s20 =	simm.s32 $0x14180;
	[sflag:s9] =	ssyncadd.s32 $0xFFFFC000  }
0x31: {  	[spmem:s2] =	stream.indirect.scatter.add.f32 [tilespmem:s8], [sflag:$0x2], $0x80, s20, s7, $0xb8;
	[tilespmem:$0x18400] =	vst v63  }
0x32: {  	_ =	swait.ge [sflag:s6], $0x4000  }
0x33: {  	[sflag:s6] =	ssyncset.done $0x0  }
0x34: {  	s21 =	simm.s32 $0x13E00;
	[sflag:s6] =	ssyncadd.s32 $0xFFFFC000  }
0x35: {  	[tilespmem:s8], [sflag:$0x1] =	stream.indirect.gather [hbm4b:s3+s7], $0x80, s21, s7, $0xb8;
	[tilespmem:$0x18400] =	vst v63  }
0x36: {  	_ =	swait.ge [sflag:s9], $0x4000  }
0x37: {  	[sflag:s9] =	ssyncset.done $0x0  }
0x38: {  	s22 =	simm.s32 $0x14200;
	[sflag:s9] =	ssyncadd.s32 $0xFFFFC000  }
0x39: {  	[spmem:s2] =	stream.indirect.scatter.add.f32 [tilespmem:s8], [sflag:$0x2], $0x80, s22, s7, $0xb8;
	[tilespmem:$0x18400] =	vst v63  }
0x3a: {  	_ =	swait.ge [sflag:s6], $0x4000  }
0x3b: {  	[sflag:s6] =	ssyncset.done $0x0  }
0x3c: {  	s23 =	simm.s32 $0x13E80;
	[sflag:s6] =	ssyncadd.s32 $0xFFFFC000  }
0x3d: {  	[tilespmem:s8], [sflag:$0x1] =	stream.indirect.gather [hbm4b:s3+s7], $0x80, s23, s7, $0xb8;
	[tilespmem:$0x18400] =	vst v63  }
0x3e: {  	_ =	swait.ge [sflag:s9], $0x4000  }
0x3f: {  	[sflag:s9] =	ssyncset.done $0x0  }
0x40: {  	s24 =	simm.s32 $0x14280;
	[sflag:s9] =	ssyncadd.s32 $0xFFFFC000  }
0x41: {  	[spmem:s2] =	stream.indirect.scatter.add.f32 [tilespmem:s8], [sflag:$0x2], $0x80, s24, s7, $0xb8;
	[tilespmem:$0x18400] =	vst v63  }
0x42: {  	_ =	swait.ge [sflag:s6], $0x4000  }
0x43: {  	[sflag:s6] =	ssyncset.done $0x0  }
0x44: {  	s26 =	simm.s32 $0x13F00;
	[sflag:s6] =	ssyncadd.s32 $0xFFFFC000  }
0x45: {  	[tilespmem:s8], [sflag:$0x1] =	stream.indirect.gather [hbm4b:s3+s7], $0x80, s26, s7, $0xb8;
	[tilespmem:$0x18400] =	vst v63  }
0x46: {  	_ =	swait.ge [sflag:s9], $0x4000  }
0x47: {  	[sflag:s9] =	ssyncset.done $0x0  }
0x48: {  	s28 =	simm.s32 $0x14300;
	[sflag:s9] =	ssyncadd.s32 $0xFFFFC000  }
0x49: {  	[spmem:s2] =	stream.indirect.scatter.add.f32 [tilespmem:s8], [sflag:$0x2], $0x80, s28, s7, $0xb8;
	[tilespmem:$0x18400] =	vst v63  }
0x4a: {  	_ =	swait.ge [sflag:s6], $0x4000  }
0x4b: {  	[sflag:s6] =	ssyncset.done $0x0  }
0x4c: {  	s29 =	simm.s32 $0x13F80;
	[sflag:s6] =	ssyncadd.s32 $0xFFFFC000  }
0x4d: {  	[tilespmem:s8], [sflag:$0x1] =	stream.indirect.gather [hbm4b:s3+s7], $0x80, s29, s7, $0xb8;
	[tilespmem:$0x18400] =	vst v63  }
0x4e: {  	_ =	swait.ge [sflag:s9], $0x4000  }
0x4f: {  	s0 =	sadd.s32 $0xFC00, s0;
	[sflag:s9] =	ssyncset.done $0x0  }
0x50: {  	s30 =	simm.s32 $0x14380;
	[dreg:$0x5] =	wrdreg s0;
	[sflag:s9] =	ssyncadd.s32 $0xFFFFC000  }
0x51: {  	[spmem:s2] =	stream.indirect.scatter.add.f32 [tilespmem:s8], [sflag:$0x2], $0x80, s30, s7, $0xb8;
	[tilespmem:$0x18400] =	vst v63  }
0x52: {  	_ =	swait.ge [sflag:s6], $0x4000  }
0x53: {  	s31 =	simm.s32 $0x80;
	s0 =	simm.s32 $0x100;
	[sflag:s6] =	ssyncset.done $0x0  }
.LBB2_1:
0x54: {  	s1 =	sadd.s32 s31, s13  }
0x55: {  	[sflag:s6] =	ssyncadd.s32 $0xFFFFC000;
	s4 =	smov.u32 s0;
	s25 =	sadd.s32 $0x80, s0  }
0x56: {  	[tilespmem:s11], [sflag:$0x2] =	stream.linear.gather [hbm4b:s1+s10], $0x400, $0x38;
	[tilespmem:$0x18400] =	vst v63  }
0x57: {  	p0 =	sne.s32 s0, $0x980;
	_ =	swait.ge [sflag:s6], $0x400  }
0x58: {  	[sflag:s6] =	ssyncset.done $0x0  }
0x59: {  	s0 =	sadd.s32 s31, s14;
	s31 =	smov.u32 s4;
	[sflag:s6] =	ssyncadd.s32 $0xFFFFFC00  }
0x5a: {  	[tilespmem:s12], [sflag:$0x2] =	stream.linear.gather [hbm4b:s0+s10], $0x400, $0x38;
	[tilespmem:$0x18400] =	vst v63  }
0x5b: {  	_ =	swait.ge [sflag:s6], $0x400  }
0x5c: {  	[sflag:s6] =	ssyncset.done $0x0  }
0x5d: {  	[sflag:s6] =	ssyncadd.s32 $0xFFFFFC00  }
0x5e: {  	[tilespmem:s8], [sflag:$0x1] =	stream.indirect.gather [hbm4b:s3+s7], $0x80, s11, s7, $0xb8;
	[tilespmem:$0x18400] =	vst v63  }
0x5f: {  	_ =	swait.ge [sflag:s9], $0x4000  }
0x60: {  	[sflag:s9] =	ssyncset.done $0x0  }
0x61: {  	[sflag:s9] =	ssyncadd.s32 $0xFFFFC000  }
0x62: {  	[spmem:s2] =	stream.indirect.scatter.add.f32 [tilespmem:s8], [sflag:$0x2], $0x80, s12, s7, $0xb8;
	[tilespmem:$0x18400] =	vst v63  }
0x63: {  	_ =	swait.ge [sflag:s6], $0x4000  }
0x64: {  	[sflag:s6] =	ssyncset.done $0x0  }
0x65: {  	[sflag:s6] =	ssyncadd.s32 $0xFFFFC000  }
0x66: {  	[tilespmem:s8], [sflag:$0x1] =	stream.indirect.gather [hbm4b:s3+s7], $0x80, s15, s7, $0xb8;
	[tilespmem:$0x18400] =	vst v63  }
0x67: {  	_ =	swait.ge [sflag:s9], $0x4000  }
0x68: {  	[sflag:s9] =	ssyncset.done $0x0  }
0x69: {  	[sflag:s9] =	ssyncadd.s32 $0xFFFFC000  }
0x6a: {  	[spmem:s2] =	stream.indirect.scatter.add.f32 [tilespmem:s8], [sflag:$0x2], $0x80, s16, s7, $0xb8;
	[tilespmem:$0x18400] =	vst v63  }
0x6b: {  	_ =	swait.ge [sflag:s6], $0x4000  }
0x6c: {  	[sflag:s6] =	ssyncset.done $0x0  }
0x6d: {  	[sflag:s6] =	ssyncadd.s32 $0xFFFFC000  }
0x6e: {  	[tilespmem:s8], [sflag:$0x1] =	stream.indirect.gather [hbm4b:s3+s7], $0x80, s17, s7, $0xb8;
	[tilespmem:$0x18400] =	vst v63  }
0x6f: {  	_ =	swait.ge [sflag:s9], $0x4000  }
0x70: {  	[sflag:s9] =	ssyncset.done $0x0  }
0x71: {  	[sflag:s9] =	ssyncadd.s32 $0xFFFFC000  }
0x72: {  	[spmem:s2] =	stream.indirect.scatter.add.f32 [tilespmem:s8], [sflag:$0x2], $0x80, s18, s7, $0xb8;
	[tilespmem:$0x18400] =	vst v63  }
0x73: {  	_ =	swait.ge [sflag:s6], $0x4000  }
0x74: {  	[sflag:s6] =	ssyncset.done $0x0  }
0x75: {  	[sflag:s6] =	ssyncadd.s32 $0xFFFFC000  }
0x76: {  	[tilespmem:s8], [sflag:$0x1] =	stream.indirect.gather [hbm4b:s3+s7], $0x80, s19, s7, $0xb8;
	[tilespmem:$0x18400] =	vst v63  }
0x77: {  	_ =	swait.ge [sflag:s9], $0x4000  }
0x78: {  	[sflag:s9] =	ssyncset.done $0x0  }
0x79: {  	[sflag:s9] =	ssyncadd.s32 $0xFFFFC000  }
0x7a: {  	[spmem:s2] =	stream.indirect.scatter.add.f32 [tilespmem:s8], [sflag:$0x2], $0x80, s20, s7, $0xb8;
	[tilespmem:$0x18400] =	vst v63  }
0x7b: {  	_ =	swait.ge [sflag:s6], $0x4000  }
0x7c: {  	[sflag:s6] =	ssyncset.done $0x0  }
0x7d: {  	[sflag:s6] =	ssyncadd.s32 $0xFFFFC000  }
0x7e: {  	[tilespmem:s8], [sflag:$0x1] =	stream.indirect.gather [hbm4b:s3+s7], $0x80, s21, s7, $0xb8;
	[tilespmem:$0x18400] =	vst v63  }
0x7f: {  	_ =	swait.ge [sflag:s9], $0x4000  }
0x80: {  	[sflag:s9] =	ssyncset.done $0x0  }
0x81: {  	[sflag:s9] =	ssyncadd.s32 $0xFFFFC000  }
0x82: {  	[spmem:s2] =	stream.indirect.scatter.add.f32 [tilespmem:s8], [sflag:$0x2], $0x80, s22, s7, $0xb8;
	[tilespmem:$0x18400] =	vst v63  }
0x83: {  	_ =	swait.ge [sflag:s6], $0x4000  }
0x84: {  	[sflag:s6] =	ssyncset.done $0x0  }
0x85: {  	[sflag:s6] =	ssyncadd.s32 $0xFFFFC000  }
0x86: {  	[tilespmem:s8], [sflag:$0x1] =	stream.indirect.gather [hbm4b:s3+s7], $0x80, s23, s7, $0xb8;
	[tilespmem:$0x18400] =	vst v63  }
0x87: {  	_ =	swait.ge [sflag:s9], $0x4000  }
0x88: {  	[sflag:s9] =	ssyncset.done $0x0  }
0x89: {  	[sflag:s9] =	ssyncadd.s32 $0xFFFFC000  }
0x8a: {  	[spmem:s2] =	stream.indirect.scatter.add.f32 [tilespmem:s8], [sflag:$0x2], $0x80, s24, s7, $0xb8;
	[tilespmem:$0x18400] =	vst v63  }
0x8b: {  	_ =	swait.ge [sflag:s6], $0x4000  }
0x8c: {  	[sflag:s6] =	ssyncset.done $0x0  }
0x8d: {  	[sflag:s6] =	ssyncadd.s32 $0xFFFFC000  }
0x8e: {  	[tilespmem:s8], [sflag:$0x1] =	stream.indirect.gather [hbm4b:s3+s7], $0x80, s26, s7, $0xb8;
	[tilespmem:$0x18400] =	vst v63  }
0x8f: {  	_ =	swait.ge [sflag:s9], $0x4000  }
0x90: {  	[sflag:s9] =	ssyncset.done $0x0  }
0x91: {  	[sflag:s9] =	ssyncadd.s32 $0xFFFFC000  }
0x92: {  	[spmem:s2] =	stream.indirect.scatter.add.f32 [tilespmem:s8], [sflag:$0x2], $0x80, s28, s7, $0xb8;
	[tilespmem:$0x18400] =	vst v63  }
0x93: {  	_ =	swait.ge [sflag:s6], $0x4000  }
0x94: {  	[sflag:s6] =	ssyncset.done $0x0  }
0x95: {  	[sflag:s6] =	ssyncadd.s32 $0xFFFFC000  }
0x96: {  	[tilespmem:s8], [sflag:$0x1] =	stream.indirect.gather [hbm4b:s3+s7], $0x80, s29, s7, $0xb8;
	[tilespmem:$0x18400] =	vst v63  }
0x97: {  	_ =	swait.ge [sflag:s9], $0x4000  }
.Ltmp0:
0x98: {  	[sflag:s9] =	ssyncset.done $0x0;
	(pc) =	sbr.rel @p0 .LBB2_1-.Ltmp0, $4  }
0x99: {  	[sflag:s9] =	ssyncadd.s32 $0xFFFFC000  }
0x9a: {  	[spmem:s2] =	stream.indirect.scatter.add.f32 [tilespmem:s8], [sflag:$0x2], $0x80, s30, s7, $0xb8;
	[tilespmem:$0x18400] =	vst v63  }
0x9b: {  	_ =	swait.ge [sflag:s6], $0x4000  }
0x9c: {  	s0 =	smov.u32 s25;
	[sflag:s6] =	ssyncset.done $0x0  }
0x9d: {  	s0 =	sadd.s32 s31, s13;
	[sflag:s6] =	ssyncadd.s32 $0xFFFFC000  }
0x9e: {  	[tilespmem:s11], [sflag:$0x2] =	stream.linear.gather [hbm4b:s0+s10], $0x400, $0x38;
	[tilespmem:$0x18400] =	vst v63  }
0x9f: {  	_ =	swait.ge [sflag:s6], $0x400  }
0xa0: {  	[sflag:s6] =	ssyncset.done $0x0  }
0xa1: {  	s25 =	sadd.s32 s31, s14;
	[sflag:s6] =	ssyncadd.s32 $0xFFFFFC00  }
0xa2: {  	[tilespmem:s12], [sflag:$0x2] =	stream.linear.gather [hbm4b:s25+s10], $0x400, $0x38;
	[tilespmem:$0x18400] =	vst v63  }
0xa3: {  	_ =	swait.ge [sflag:s6], $0x400  }
0xa4: {  	[sflag:s6] =	ssyncset.done $0x0  }
0xa5: {  	[sflag:s6] =	ssyncadd.s32 $0xFFFFFC00  }
0xa6: {  	[tilespmem:s8], [sflag:$0x1] =	stream.indirect.gather [hbm4b:s3+s7], $0x80, s11, s7, $0xb8;
	[tilespmem:$0x18400] =	vst v63  }
0xa7: {  	_ =	swait.ge [sflag:s9], $0x4000  }
0xa8: {  	[sflag:s9] =	ssyncset.done $0x0  }
0xa9: {  	[sflag:s9] =	ssyncadd.s32 $0xFFFFC000  }
0xaa: {  	[spmem:s2] =	stream.indirect.scatter.add.f32 [tilespmem:s8], [sflag:$0x2], $0x80, s12, s7, $0xb8;
	[tilespmem:$0x18400] =	vst v63  }
0xab: {  	_ =	swait.ge [sflag:s6], $0x4000  }
0xac: {  	[sflag:s6] =	ssyncset.done $0x0  }
0xad: {  	[sflag:s6] =	ssyncadd.s32 $0xFFFFC000  }
0xae: {  	[tilespmem:s8], [sflag:$0x1] =	stream.indirect.gather [hbm4b:s3+s7], $0x80, s15, s7, $0xb8;
	[tilespmem:$0x18400] =	vst v63  }
0xaf: {  	_ =	swait.ge [sflag:s9], $0x4000  }
0xb0: {  	[sflag:s9] =	ssyncset.done $0x0  }
0xb1: {  	[sflag:s9] =	ssyncadd.s32 $0xFFFFC000  }
0xb2: {  	[spmem:s2] =	stream.indirect.scatter.add.f32 [tilespmem:s8], [sflag:$0x2], $0x80, s16, s7, $0xb8;
	[tilespmem:$0x18400] =	vst v63  }
0xb3: {  	_ =	swait.ge [sflag:s6], $0x4000  }
0xb4: {  	[sflag:s6] =	ssyncset.done $0x0  }
0xb5: {  	[sflag:s6] =	ssyncadd.s32 $0xFFFFC000  }
0xb6: {  	[tilespmem:s8], [sflag:$0x1] =	stream.indirect.gather [hbm4b:s3+s7], $0x80, s17, s7, $0xb8;
	[tilespmem:$0x18400] =	vst v63  }
0xb7: {  	_ =	swait.ge [sflag:s9], $0x4000  }
0xb8: {  	[sflag:s9] =	ssyncset.done $0x0  }
0xb9: {  	[sflag:s9] =	ssyncadd.s32 $0xFFFFC000  }
0xba: {  	[spmem:s2] =	stream.indirect.scatter.add.f32 [tilespmem:s8], [sflag:$0x2], $0x80, s18, s7, $0xb8;
	[tilespmem:$0x18400] =	vst v63  }
0xbb: {  	_ =	swait.ge [sflag:s6], $0x4000  }
0xbc: {  	[sflag:s6] =	ssyncset.done $0x0  }
0xbd: {  	[sflag:s6] =	ssyncadd.s32 $0xFFFFC000  }
0xbe: {  	[tilespmem:s8], [sflag:$0x1] =	stream.indirect.gather [hbm4b:s3+s7], $0x80, s19, s7, $0xb8;
	[tilespmem:$0x18400] =	vst v63  }
0xbf: {  	_ =	swait.ge [sflag:s9], $0x4000  }
0xc0: {  	[sflag:s9] =	ssyncset.done $0x0  }
0xc1: {  	[sflag:s9] =	ssyncadd.s32 $0xFFFFC000  }
0xc2: {  	[spmem:s2] =	stream.indirect.scatter.add.f32 [tilespmem:s8], [sflag:$0x2], $0x80, s20, s7, $0xb8;
	[tilespmem:$0x18400] =	vst v63  }
0xc3: {  	_ =	swait.ge [sflag:s6], $0x4000  }
0xc4: {  	[sflag:s6] =	ssyncset.done $0x0  }
0xc5: {  	[sflag:s6] =	ssyncadd.s32 $0xFFFFC000  }
0xc6: {  	[tilespmem:s8], [sflag:$0x1] =	stream.indirect.gather [hbm4b:s3+s7], $0x80, s21, s7, $0xb8;
	[tilespmem:$0x18400] =	vst v63  }
0xc7: {  	_ =	swait.ge [sflag:s9], $0x4000  }
0xc8: {  	[sflag:s9] =	ssyncset.done $0x0  }
0xc9: {  	[sflag:s9] =	ssyncadd.s32 $0xFFFFC000  }
0xca: {  	[spmem:s2] =	stream.indirect.scatter.add.f32 [tilespmem:s8], [sflag:$0x2], $0x80, s22, s7, $0xb8;
	[tilespmem:$0x18400] =	vst v63  }
0xcb: {  	_ =	swait.ge [sflag:s6], $0x4000  }
0xcc: {  	[sflag:s6] =	ssyncset.done $0x0  }
0xcd: {  	[sflag:s6] =	ssyncadd.s32 $0xFFFFC000  }
0xce: {  	[tilespmem:s8], [sflag:$0x1] =	stream.indirect.gather [hbm4b:s3+s7], $0x80, s23, s7, $0xb8;
	[tilespmem:$0x18400] =	vst v63  }
0xcf: {  	_ =	swait.ge [sflag:s9], $0x4000  }
0xd0: {  	[sflag:s9] =	ssyncset.done $0x0  }
0xd1: {  	[sflag:s9] =	ssyncadd.s32 $0xFFFFC000  }
0xd2: {  	[spmem:s2] =	stream.indirect.scatter.add.f32 [tilespmem:s8], [sflag:$0x2], $0x80, s24, s7, $0xb8;
	[tilespmem:$0x18400] =	vst v63  }
0xd3: {  	_ =	swait.ge [sflag:s6], $0x4000  }
0xd4: {  	[sflag:s6] =	ssyncset.done $0x0  }
0xd5: {  	[sflag:s6] =	ssyncadd.s32 $0xFFFFC000  }
0xd6: {  	[tilespmem:s8], [sflag:$0x1] =	stream.indirect.gather [hbm4b:s3+s7], $0x80, s26, s7, $0xb8;
	[tilespmem:$0x18400] =	vst v63  }
0xd7: {  	_ =	swait.ge [sflag:s9], $0x4000  }
0xd8: {  	[sflag:s9] =	ssyncset.done $0x0  }
0xd9: {  	[sflag:s9] =	ssyncadd.s32 $0xFFFFC000  }
0xda: {  	[spmem:s2] =	stream.indirect.scatter.add.f32 [tilespmem:s8], [sflag:$0x2], $0x80, s28, s7, $0xb8;
	[tilespmem:$0x18400] =	vst v63  }
0xdb: {  	_ =	swait.ge [sflag:s6], $0x4000  }
0xdc: {  	[sflag:s6] =	ssyncset.done $0x0  }
0xdd: {  	[sflag:s6] =	ssyncadd.s32 $0xFFFFC000  }
0xde: {  	[tilespmem:s8], [sflag:$0x1] =	stream.indirect.gather [hbm4b:s3+s7], $0x80, s29, s7, $0xb8;
	[tilespmem:$0x18400] =	vst v63  }
0xdf: {  	_ =	swait.ge [sflag:s9], $0x4000  }
0xe0: {  	[sflag:s9] =	ssyncset.done $0x0  }
0xe1: {  	[sflag:s9] =	ssyncadd.s32 $0xFFFFC000  }
0xe2: {  	[spmem:s2] =	stream.indirect.scatter.add.f32 [tilespmem:s8], [sflag:$0x2], $0x80, s30, s7, $0xb8;
	[tilespmem:$0x18400] =	vst v63  }
0xe3: {  	_ =	swait.ge [sflag:s6], $0x4000  }
0xe4: {  	s1 =	stileid.u32;
	[sflag:s6] =	ssyncset.done $0x0  }
0xe5: {  	s28 =	smul.u32 $0x2780, s1;
	[sflag:s6] =	ssyncadd.s32 $0xFFFFC000  }
0xe6: {  	s29 =	rddreg [dreg:$0x5];
	[bflag:$0x0] =	sbarrier.arrive $0xFFFF  }
0xe7: {  	s31 =	simm.s32 $0x2;
	s0 =	sadd.s32 s29, s28;
	s30 =	rddreg [dreg:$0x4]  }
0xe8: {  	[hbm:s0], [sflag:s30] =	dma.local [spmem:s5], $0x2780  }
0xe9: {  	_ =	swait.ge [sflag:s31], $0x2780  }
0xea: {  	[sflag:s31] =	ssyncset.done $0x0  }
0xeb: {  	[sflag:s31] =	ssyncadd.s32 $0xFFFFD880  }
0xec: {  	_ =	sfence.sel $0x180000  }
0xed: {  	[bflag:$0x0] =	sbarrier.arrive $0xFFFF  }
0xee: {  	_ =	strace $0x9000004A  }
0xef: {  	[bflag:$0x2] =	sbarrier.arrive $0xFFFF  }
0xf0: {  	p0 =	sne.s32 s1, $0x0;
	s0 =	rddreg [dreg:$0x3]  }
0xf1: {  	s0 =	sadd.s32 @!p0 $0x100000, s0  }
0xf2: {  	[sflag:s0] =	ssyncadd.tile.s32 @!p0 $0x1;
	_ =	shalt  }
.Lfunc_end2:
_tile_overlayer_lowered:
.L_overlay_start_2:
0xf3: {  	(tag) =	ssettag $0x2  }
0xf4: {  	s0 =	rddreg [dreg:$0x0];
	s2 =	stileid.u32  }
0xf5: {  	s1 =	rddreg [dreg:$0x1];
	p0 =	sne.s32 s2, $0x0  }
0xf6: {  	s3 =	rddreg [dreg:$0x2];
	[bflag:$0x3] =	sbarrier.arrive $0xFFFF;
	s2 =	simm.s32 @!p0 $0x1C02  }
0xf7: {  	[timem:s3], [sflag:s2] =	dma.local @!p0 [hbm:s0], s1  }
0xf8: {  	s0 =	simm.s32 @!p0 $0x2  }
0xf9: {  	_ =	swait.ge @!p0 [sflag:s0], s1  }
0xfa: {  	s1 =	ssub.s32 @!p0 $0x0, s1;
	[sflag:s0] =	ssyncset.done @!p0 $0x0  }
0xfb: {  	[sflag:s0] =	ssyncadd.s32 @!p0 s1  }
0xfc: {  	[bflag:$0x3] =	sbarrier.arrive $0xFFFF  }
0xfd: {  	_ =	shalt  }

// kernel: kernel.14.cloned.1.call-start
scs
__scs_entry_jumppad:
0x0: {  	(pc) =	sbr.rel $0x88, $3  }
0x1: {  	(tag) =	ssettag $0x0;
	lr =	simm.s32 $0x1  }
0x2: {  	[smem:$0x3F9C] =	sst lr;
	_ =	strace $0xD0000000  }
0x3: {  	_ = 	snop  }
0x4: {  	_ = 	snop  }
0x5: {  	_ = 	snop  }
0x6: {  	_ = 	snop  }
0x7: {  	_ = 	snop  }
__scs_overlays_trampoline_lowered:
0x8: {  	[smem:$0x3FAB] =	sst s0  }
0x9: {  	[smem:$0x3FAC] =	sst s1  }
0xa: {  	[smem:$0x3FAD] =	sst s2  }
0xb: {  	[smem:$0x3FAE] =	sst s3  }
0xc: {  	[smem:$0x3FAF] =	sst s4  }
0xd: {  	[smem:$0x3FB0] =	sst s5  }
0xe: {  	[smem:$0x3FB1] =	sst s6  }
0xf: {  	[smem:$0x3FB2] =	sst s7  }
0x10: {  	[smem:$0x3FB3] =	sst s8  }
0x11: {  	[smem:$0x3FB4] =	sst s9;
	s0 =	simm.s32 @!p0 $0x0  }
0x12: {  	s1 =	sld [smem:$0x3F9A];
	s0 =	simm.s32 @p0 $0x1  }
0x13: {  	[smem:$0x3FB5] =	sst s0;
	s0 =	simm.s32 @!p1 $0x0  }
0x14: {  	s2 =	sld [smem:$0x3F99];
	s0 =	simm.s32 @p1 $0x1  }
0x15: {  	[smem:$0x3FB6] =	sst s0;
	s0 =	simm.s32 @!p2 $0x0  }
0x16: {  	s3 =	sld [smem:$0x3FDB];
	s0 =	simm.s32 @p2 $0x1  }
0x17: {  	s4 =	simm.s32 $0x1BF5;
	[smem:$0x3FB8] =	sst s0  }
0x18: {  	s0 =	sld [smem:$0x3F9B];
	_ =	swait.ge [sflag:s4], $0x0  }
0x19: {  	s7 =	sld [smem:$0x3F9C]  }
0x1a: {  	s8 =	sadd.s32 $0xFFFFE003, lr  }
0x1b: {  	s9 =	sadd.s32 $0xFFFFFEF7, lr;
	s5 =	simm.s32 $0xFFFFFFFF;
	p2 =	slt.u32 s8, $0xFFFFF086  }
0x1c: {  	p1 =	slt.u32 s9, $0xF7A;
	s5 =	simm.s32 @!p2 $0x0  }
0x1d: {  	s5 =	simm.s32 @p1 $0x1;
	p0 =	seq.s32 s7, s2  }
0x1e: {  	s7 =	smul.u32 @!p0 $0xF7A, s2;
	p2 =	seq.s32 @!p0 s5, $0x0  }
0x1f: {  	s9 =	smul.u32 $0xF7A, s1;
	s8 =	simm.s32 @!p0 $0x1BF5;
	p2 =	por !p2, p0  }
0x20: {  	[sflag:s8] =	ssyncset.s32 @!p0 $0xFFFFF086;
	s6 =	sadd.s32 @!p0 s3, s7;
	s7 =	simm.s32 @!p0 $0x108  }
0x21: {  	s3 =	sadd.s32 s3, s9;
	s6 =	sadd.s32 @!p0 $0x88, s6;
	s7 =	simm.s32 @p2 $0x1082  }
0x22: {  	[simem:s7], [sflag:s8] =	dma.local @!p0 [hbm:s6], $0xF7A  }
0x23: {  	s9 =	sor.u32 $0xD0000000, s2;
	s6 =	simm.s32 $0x108;
	_ =	swait.ge @!p0 [sflag:s8], $0x0  }
0x24: {  	s3 =	sadd.s32 $0x88, s3;
	s6 =	simm.s32 @!p1 $0x1082;
	[sflag:s4] =	ssyncset.s32 $0xFFFFF086  }
0x25: {  	[simem:s6], [sflag:s4] =	dma.local [hbm:s3], $0xF7A  }
0x26: {  	[smem:$0x3F9C] =	sst s1;
	(tag) =	ssettag s2;
	_ =	strace s9  }
0x27: {  	s1 =	sld [smem:$0x3FAC]  }
0x28: {  	s2 =	sld [smem:$0x3FAD]  }
0x29: {  	s4 =	sld [smem:$0x3FAF]  }
0x2a: {  	p0 =	seq.s32 s5, $0x0;
	s5 =	sld [smem:$0x3FB0]  }
0x2b: {  	s6 =	sld [smem:$0x3FB1]  }
0x2c: {  	s7 =	sld [smem:$0x3FB2]  }
0x2d: {  	s3 =	simm.s32 $0x108;
	s8 =	sld [smem:$0x3FB3]  }
0x2e: {  	s3 =	simm.s32 @!p0 $0x1082;
	s9 =	sld [smem:$0x3FB4]  }
0x2f: {  	lr =	sadd.s32 s0, s3;
	s0 =	sld [smem:$0x3FAB]  }
0x30: {  	s3 =	sld [smem:$0x3FAE]  }
0x31: {  	[smem:$0x3FB7] =	sst s10  }
0x32: {  	s10 =	sld [smem:$0x3FB5];
	_ =	sdelay $0x3  }
0x33: {  	p0 =	seq.s32 s10, $0x1;
	s10 =	sld [smem:$0x3FB7];
	_ =	sdelay $0x3  }
0x34: {  	[smem:$0x3FB7] =	sst s10  }
0x35: {  	s10 =	sld [smem:$0x3FB6];
	_ =	sdelay $0x3  }
0x36: {  	p1 =	seq.s32 s10, $0x1;
	s10 =	sld [smem:$0x3FB7];
	_ =	sdelay $0x3  }
0x37: {  	[smem:$0x3FB7] =	sst s10  }
0x38: {  	s10 =	sld [smem:$0x3FB8]  }
0x39: {  	_ = 	snop;
	(pc) =	sbr.ind lr, $3  }
0x3a: {  	_ = 	snop  }
0x3b: {  	_ = 	snop  }
0x3c: {  	p2 =	seq.s32 s10, $0x1;
	s10 =	sld [smem:$0x3FB7]  }
0x3d: {  	_ =	shalt  }
0x3e: {  	_ =	shalt  }
0x3f: {  	_ =	shalt  }
0x40: {  	_ =	shalt  }
0x41: {  	_ =	shalt  }
0x42: {  	_ =	shalt  }
0x43: {  	_ =	shalt  }
0x44: {  	_ =	shalt  }
0x45: {  	_ =	shalt  }
0x46: {  	_ =	shalt  }
0x47: {  	_ =	shalt  }
0x48: {  	_ =	shalt  }
0x49: {  	_ =	shalt  }
0x4a: {  	_ =	shalt  }
0x4b: {  	_ =	shalt  }
0x4c: {  	_ =	shalt  }
0x4d: {  	_ =	shalt  }
0x4e: {  	_ =	shalt  }
0x4f: {  	_ =	shalt  }
0x50: {  	_ =	shalt  }
0x51: {  	_ =	shalt  }
0x52: {  	_ =	shalt  }
0x53: {  	_ =	shalt  }
0x54: {  	_ =	shalt  }
0x55: {  	_ =	shalt  }
0x56: {  	_ =	shalt  }
0x57: {  	_ =	shalt  }
0x58: {  	_ =	shalt  }
0x59: {  	_ =	shalt  }
0x5a: {  	_ =	shalt  }
0x5b: {  	_ =	shalt  }
0x5c: {  	_ =	shalt  }
0x5d: {  	_ =	shalt  }
0x5e: {  	_ =	shalt  }
0x5f: {  	_ =	shalt  }
0x60: {  	_ =	shalt  }
0x61: {  	_ =	shalt  }
0x62: {  	_ =	shalt  }
0x63: {  	_ =	shalt  }
0x64: {  	_ =	shalt  }
0x65: {  	_ =	shalt  }
0x66: {  	_ =	shalt  }
0x67: {  	_ =	shalt  }
0x68: {  	_ =	shalt  }
0x69: {  	_ =	shalt  }
0x6a: {  	_ =	shalt  }
0x6b: {  	_ =	shalt  }
0x6c: {  	_ =	shalt  }
0x6d: {  	_ =	shalt  }
0x6e: {  	_ =	shalt  }
0x6f: {  	_ =	shalt  }
0x70: {  	_ =	shalt  }
0x71: {  	_ =	shalt  }
0x72: {  	_ =	shalt  }
0x73: {  	_ =	shalt  }
0x74: {  	_ =	shalt  }
0x75: {  	_ =	shalt  }
0x76: {  	_ =	shalt  }
0x77: {  	_ =	shalt  }
0x78: {  	_ =	shalt  }
0x79: {  	_ =	shalt  }
0x7a: {  	_ =	shalt  }
0x7b: {  	_ =	shalt  }
0x7c: {  	_ =	shalt  }
0x7d: {  	_ =	shalt  }
0x7e: {  	_ =	shalt  }
0x7f: {  	_ =	shalt  }
0x80: {  	_ =	shalt  }
0x81: {  	_ =	shalt  }
0x82: {  	_ =	shalt  }
0x83: {  	_ =	shalt  }
0x84: {  	_ =	shalt  }
0x85: {  	_ =	shalt  }
0x86: {  	_ =	shalt  }
0x87: {  	_ =	shalt  }
.Lfunc_end0:
.L_simem_size_0:
called_computation.2_lowered:
.L_overlay_start_0:
0x88: {  	s0 =	sld [smem:$0x3FD9]  }
0x89: {  	s1 =	sld [smem:$0x3FFE];
	_ =	sdelay $0x3  }
0x8a: {  	s0 =	sadd.s32 s1, s0  }
0x8b: {  	[smem:$0x3FC3] =	sst s0  }
0x8c: {  	_ = 	snop  }
0x8d: {  	s0 =	sld [smem:$0x3FD0];
	(tm) =	ssettm $0x1  }
0x8e: {  	s16 =	sld [smem:$0x3FFB];
	_ =	sdelay $0x3  }
0x8f: {  	_ =	strace s16  }
0x90: {  	s1 =	sld [smem:$0x3FFC];
	_ =	sdelay $0x3  }
0x91: {  	_ =	strace s1  }
0x92: {  	s1 =	sld [smem:$0x3FFD];
	_ =	sdelay $0x3  }
0x93: {  	_ =	strace s1  }
0x94: {  	_ =	strace $0x8FFFFFFF  }
0x95: {  	s17 =	sld [smem:$0x3FDB];
	_ =	sdelay $0x1  }
0x96: {  	s2 =	simm.s32 $_scs_section_size  }
0x97: {  	s3 =	simm.s32 $_size__tile_overlayer_lowered;
	s4 =	simm.s32 $_tile_overlayer_lowered  }
0x98: {  	s20 =	simm.s32 $0x1BFF;
	s19 =	sshll.u32 s4, $0x1;
	s1 =	sadd.s32 s2, s17  }
0x99: {  	s5 =	simm.s32 $0x0;
	s18 =	sshll.u32 s3, $0x1;
	s3 =	sadd.s32 s19, s1  }
0x9a: {  	[timem:s5], [sflag:s20] =	dma.local [hbm:s3], s18  }
0x9b: {  	_ =	swait.ge [sflag:s20], s18  }
0x9c: {  	s2 =	ssub.s32 $0x0, s18;
	[sflag:s20] =	ssyncset.done $0x0  }
0x9d: {  	[sflag:s20] =	ssyncadd.s32 s2;
	_ =	sdelay $0x1  }
0x9e: {  	s21 =	simm.s32 $0x1B8B  }
0x9f: {  	_ =	swait.ge [sflag:s21], $0x1  }
0xa0: {  	[sflag:s21] =	ssyncset.done $0x0  }
0xa1: {  	s23 =	simm.s32 $0x1B8E;
	s22 =	sld [smem:$0x3FFE];
	[sflag:s21] =	ssyncadd.s32 $0xFFFFFFFF  }
0xa2: {  	s24 =	simm.s32 $execute0_lowered;
	[smem:$0x3FD2] =	sst s23  }
0xa3: {  	s3 =	sshll.u32 s24, $0x1;
	_ =	strace $0x8000004C;
	[dreg:$0x1] =	wrdreg $0xFFFFFFFF  }
0xa4: {  	s25 =	simm.s32 $_size_execute0_lowered;
	s1 =	sadd.s32 s1, s3;
	[dreg:$0x0] =	wrdreg $0x0  }
0xa5: {  	s3 =	sshll.u32 s25, $0x1;
	[dreg:$0x2] =	wrdreg s1  }
0xa6: {  	[dreg:$0x3] =	wrdreg s3  }
0xa7: {  	[dreg:$0x4] =	wrdreg $0xC0  }
0xa8: {  	_ =	task [dreg:s5], $0x5FFFF  }
0xa9: {  	[dreg:$0x1] =	wrdreg $0xFFFFFFFF  }
0xaa: {  	[dreg:$0x0] =	wrdreg $0x60  }
0xab: {  	[dreg:$0x2] =	wrdreg s0  }
0xac: {  	[dreg:$0x3] =	wrdreg s22  }
0xad: {  	[dreg:$0x4] =	wrdreg $0x0  }
0xae: {  	[dreg:$0x5] =	wrdreg $0x9  }
0xaf: {  	_ =	task.clear_ibuf [dreg:s5], $0x6FFFF;
	_ =	strace $0x9000004C  }
0xb0: {  	s26 =	simm.s32 $0x9;
	_ =	strace $0x8000004E  }
0xb1: {  	_ =	swait.ge [sflag:s26], $0x1  }
0xb2: {  	[sflag:s26] =	ssyncadd.s32 $0xFFFFFFFF  }
0xb3: {  	_ =	strace $0x9000004E  }
0xb4: {  	_ =	sfence  }
0xb5: {  	s28 =	sld [smem:$0x0];
	_ =	sdelay $0x1  }
0xb6: {  	s29 =	srdreg.scid  }
0xb7: {  	s30 =	sshll.u32 s29, $0xD;
	s31 =	sshrl.u32 s29, $0x2  }
0xb8: {  	s2 =	sand.u32 $0x4000, s30;
	s1 =	sand.u32 $0x1, s29;
	s0 =	sadd.s32 s31, s28  }
0xb9: {  	s1 =	sor.u32 s2, s1;
	s0 =	sshll.u32 s0, $0x11  }
0xba: {  	s0 =	sor.u32 s0, s1  }
0xbb: {  	s0 =	sadd.s32 $0x8F2B, s0  }
0xbc: {  	[sflag:s0] =	ssyncadd.remote.s32 $0x1  }
0xbd: {  	_ =	sfence.sel $0xFFFF  }
0xbe: {  	[dreg:$0x0] =	wrdreg $0xFFFFFFFF;
	(pc) =	sbr.abs _section_cstart, $3  }
0xbf: {  	[dreg:$0x1] =	wrdreg $0xFFFFFFFF  }
0xc0: {  	_ =	task.clear_ibuf [dreg:s5], $0x2FFFF;
	_ =	strace $0x9FFFFFFF  }
0xc1: {  	(tm) =	ssettm $0x7FFFFFFF  }
tec
execute0_lowered:
.L_overlay_start_1:
0x0: {  	(tag) =	ssettag $0x1  }
0x1: {  	s3 =	rddreg [dreg:$0x0];
	s1 =	stileid.u32  }
0x2: {  	s0 =	rddreg [dreg:$0x1];
	s4 =	smul.u32 $0x4F000, s1  }
0x3: {  	s2 =	rddreg [dreg:$0x2];
	s10 =	simm.s32 $0x0  }
0x4: {  	[smem:$0x7FF] =	sst s10;
	s26 =	sshll.u32 s1, $0x6;
	s4 =	sshrl.u32 s4, $0x2  }
0x5: {  	s6 =	sadd.s32 $0xD400, s0;
	s5 =	sadd.s32 s4, s2;
	s4 =	sor.u32 $0x1C02, s26  }
0x6: {  	_ =	strace $0x8000004D;
	s5 =	sshrl.u32 s5, $0x3;
	[dreg:$0x4] =	wrdreg s4  }
0x7: {  	[spmem:s5], [sflag:s4] =	dma.local [hbm:s6], $0x2780  }
0x8: {  	s7 =	smul.u32 $0xA00, s1;
	s6 =	simm.s32 $0x2  }
0x9: {  	_ =	swait.ge [sflag:s6], $0x2780  }
0xa: {  	s7 =	sadd.s32 s7, s0;
	[sflag:s6] =	ssyncset.done $0x0  }
0xb: {  	s13 =	sadd.s32 $0x5EC00, s7;
	[sflag:s6] =	ssyncadd.s32 $0xFFFFD880  }
0xc: {  	s11 =	simm.s32 $0x13C00;
	s8 =	sadd.s32 $0x0, s13;
	[bflag:$0x0] =	sbarrier.arrive $0xFFFF  }
0xd: {  	[tilespmem:s11], [sflag:$0x2] =	stream.linear.gather [hbm4b:s8+s10], $0x400, $0x38;
	[tilespmem:$0x18400] =	vst v63  }
0xe: {  	_ =	swait.ge [sflag:s6], $0x400  }
0xf: {  	s14 =	sadd.s32 $0x3400, s7;
	[sflag:s6] =	ssyncset.done $0x0  }
0x10: {  	s12 =	simm.s32 $0x14000;
	s7 =	sadd.s32 $0x0, s14;
	[sflag:s6] =	ssyncadd.s32 $0xFFFFFC00  }
0x11: {  	[tilespmem:s12], [sflag:$0x2] =	stream.linear.gather [hbm4b:s7+s10], $0x400, $0x38;
	[tilespmem:$0x18400] =	vst v63  }
0x12: {  	_ =	swait.ge [sflag:s6], $0x400  }
0x13: {  	s9 =	simm.s32 $0x1;
	[sflag:s6] =	ssyncset.done $0x0  }
0x14: {  	s8 =	simm.s32 $0x14400;
	s7 =	simm.s32 $0x80;
	[sflag:s6] =	ssyncadd.s32 $0xFFFFFC00  }
0x15: {  	[tilespmem:s8], [sflag:$0x1] =	stream.indirect.gather [hbm4b:s3+s7], $0x80, s11, s7, $0xb8;
	[tilespmem:$0x18400] =	vst v63  }
0x16: {  	_ =	swait.ge [sflag:s9], $0x4000  }
0x17: {  	[sflag:s9] =	ssyncset.done $0x0  }
0x18: {  	[sflag:s9] =	ssyncadd.s32 $0xFFFFC000  }
0x19: {  	[spmem:s2] =	stream.indirect.scatter.add.f32 [tilespmem:s8], [sflag:$0x2], $0x80, s12, s7, $0xb8;
	[tilespmem:$0x18400] =	vst v63  }
0x1a: {  	_ =	swait.ge [sflag:s6], $0x4000  }
0x1b: {  	[sflag:s6] =	ssyncset.done $0x0  }
0x1c: {  	s15 =	simm.s32 $0x13C80;
	[sflag:s6] =	ssyncadd.s32 $0xFFFFC000  }
0x1d: {  	[tilespmem:s8], [sflag:$0x1] =	stream.indirect.gather [hbm4b:s3+s7], $0x80, s15, s7, $0xb8;
	[tilespmem:$0x18400] =	vst v63  }
0x1e: {  	_ =	swait.ge [sflag:s9], $0x4000  }
0x1f: {  	[sflag:s9] =	ssyncset.done $0x0  }
0x20: {  	s16 =	simm.s32 $0x14080;
	[sflag:s9] =	ssyncadd.s32 $0xFFFFC000  }
0x21: {  	[spmem:s2] =	stream.indirect.scatter.add.f32 [tilespmem:s8], [sflag:$0x2], $0x80, s16, s7, $0xb8;
	[tilespmem:$0x18400] =	vst v63  }
0x22: {  	_ =	swait.ge [sflag:s6], $0x4000  }
0x23: {  	[sflag:s6] =	ssyncset.done $0x0  }
0x24: {  	s17 =	simm.s32 $0x13D00;
	[sflag:s6] =	ssyncadd.s32 $0xFFFFC000  }
0x25: {  	[tilespmem:s8], [sflag:$0x1] =	stream.indirect.gather [hbm4b:s3+s7], $0x80, s17, s7, $0xb8;
	[tilespmem:$0x18400] =	vst v63  }
0x26: {  	_ =	swait.ge [sflag:s9], $0x4000  }
0x27: {  	[sflag:s9] =	ssyncset.done $0x0  }
0x28: {  	s18 =	simm.s32 $0x14100;
	[sflag:s9] =	ssyncadd.s32 $0xFFFFC000  }
0x29: {  	[spmem:s2] =	stream.indirect.scatter.add.f32 [tilespmem:s8], [sflag:$0x2], $0x80, s18, s7, $0xb8;
	[tilespmem:$0x18400] =	vst v63  }
0x2a: {  	_ =	swait.ge [sflag:s6], $0x4000  }
0x2b: {  	[sflag:s6] =	ssyncset.done $0x0  }
0x2c: {  	s19 =	simm.s32 $0x13D80;
	[sflag:s6] =	ssyncadd.s32 $0xFFFFC000  }
0x2d: {  	[tilespmem:s8], [sflag:$0x1] =	stream.indirect.gather [hbm4b:s3+s7], $0x80, s19, s7, $0xb8;
	[tilespmem:$0x18400] =	vst v63  }
0x2e: {  	_ =	swait.ge [sflag:s9], $0x4000  }
0x2f: {  	[sflag:s9] =	ssyncset.done $0x0  }
0x30: {  	s20 =	simm.s32 $0x14180;
	[sflag:s9] =	ssyncadd.s32 $0xFFFFC000  }
0x31: {  	[spmem:s2] =	stream.indirect.scatter.add.f32 [tilespmem:s8], [sflag:$0x2], $0x80, s20, s7, $0xb8;
	[tilespmem:$0x18400] =	vst v63  }
0x32: {  	_ =	swait.ge [sflag:s6], $0x4000  }
0x33: {  	[sflag:s6] =	ssyncset.done $0x0  }
0x34: {  	s21 =	simm.s32 $0x13E00;
	[sflag:s6] =	ssyncadd.s32 $0xFFFFC000  }
0x35: {  	[tilespmem:s8], [sflag:$0x1] =	stream.indirect.gather [hbm4b:s3+s7], $0x80, s21, s7, $0xb8;
	[tilespmem:$0x18400] =	vst v63  }
0x36: {  	_ =	swait.ge [sflag:s9], $0x4000  }
0x37: {  	[sflag:s9] =	ssyncset.done $0x0  }
0x38: {  	s22 =	simm.s32 $0x14200;
	[sflag:s9] =	ssyncadd.s32 $0xFFFFC000  }
0x39: {  	[spmem:s2] =	stream.indirect.scatter.add.f32 [tilespmem:s8], [sflag:$0x2], $0x80, s22, s7, $0xb8;
	[tilespmem:$0x18400] =	vst v63  }
0x3a: {  	_ =	swait.ge [sflag:s6], $0x4000  }
0x3b: {  	[sflag:s6] =	ssyncset.done $0x0  }
0x3c: {  	s23 =	simm.s32 $0x13E80;
	[sflag:s6] =	ssyncadd.s32 $0xFFFFC000  }
0x3d: {  	[tilespmem:s8], [sflag:$0x1] =	stream.indirect.gather [hbm4b:s3+s7], $0x80, s23, s7, $0xb8;
	[tilespmem:$0x18400] =	vst v63  }
0x3e: {  	_ =	swait.ge [sflag:s9], $0x4000  }
0x3f: {  	[sflag:s9] =	ssyncset.done $0x0  }
0x40: {  	s24 =	simm.s32 $0x14280;
	[sflag:s9] =	ssyncadd.s32 $0xFFFFC000  }
0x41: {  	[spmem:s2] =	stream.indirect.scatter.add.f32 [tilespmem:s8], [sflag:$0x2], $0x80, s24, s7, $0xb8;
	[tilespmem:$0x18400] =	vst v63  }
0x42: {  	_ =	swait.ge [sflag:s6], $0x4000  }
0x43: {  	[sflag:s6] =	ssyncset.done $0x0  }
0x44: {  	s26 =	simm.s32 $0x13F00;
	[sflag:s6] =	ssyncadd.s32 $0xFFFFC000  }
0x45: {  	[tilespmem:s8], [sflag:$0x1] =	stream.indirect.gather [hbm4b:s3+s7], $0x80, s26, s7, $0xb8;
	[tilespmem:$0x18400] =	vst v63  }
0x46: {  	_ =	swait.ge [sflag:s9], $0x4000  }
0x47: {  	[sflag:s9] =	ssyncset.done $0x0  }
0x48: {  	s28 =	simm.s32 $0x14300;
	[sflag:s9] =	ssyncadd.s32 $0xFFFFC000  }
0x49: {  	[spmem:s2] =	stream.indirect.scatter.add.f32 [tilespmem:s8], [sflag:$0x2], $0x80, s28, s7, $0xb8;
	[tilespmem:$0x18400] =	vst v63  }
0x4a: {  	_ =	swait.ge [sflag:s6], $0x4000  }
0x4b: {  	[sflag:s6] =	ssyncset.done $0x0  }
0x4c: {  	s29 =	simm.s32 $0x13F80;
	[sflag:s6] =	ssyncadd.s32 $0xFFFFC000  }
0x4d: {  	[tilespmem:s8], [sflag:$0x1] =	stream.indirect.gather [hbm4b:s3+s7], $0x80, s29, s7, $0xb8;
	[tilespmem:$0x18400] =	vst v63  }
0x4e: {  	_ =	swait.ge [sflag:s9], $0x4000  }
0x4f: {  	s0 =	sadd.s32 $0xFC00, s0;
	[sflag:s9] =	ssyncset.done $0x0  }
0x50: {  	s30 =	simm.s32 $0x14380;
	[dreg:$0x5] =	wrdreg s0;
	[sflag:s9] =	ssyncadd.s32 $0xFFFFC000  }
0x51: {  	[spmem:s2] =	stream.indirect.scatter.add.f32 [tilespmem:s8], [sflag:$0x2], $0x80, s30, s7, $0xb8;
	[tilespmem:$0x18400] =	vst v63  }
0x52: {  	_ =	swait.ge [sflag:s6], $0x4000  }
0x53: {  	s31 =	simm.s32 $0x80;
	s0 =	simm.s32 $0x100;
	[sflag:s6] =	ssyncset.done $0x0  }
.LBB2_1:
0x54: {  	s1 =	sadd.s32 s31, s13  }
0x55: {  	[sflag:s6] =	ssyncadd.s32 $0xFFFFC000;
	s4 =	smov.u32 s0;
	s25 =	sadd.s32 $0x80, s0  }
0x56: {  	[tilespmem:s11], [sflag:$0x2] =	stream.linear.gather [hbm4b:s1+s10], $0x400, $0x38;
	[tilespmem:$0x18400] =	vst v63  }
0x57: {  	p0 =	sne.s32 s0, $0x980;
	_ =	swait.ge [sflag:s6], $0x400  }
0x58: {  	[sflag:s6] =	ssyncset.done $0x0  }
0x59: {  	s0 =	sadd.s32 s31, s14;
	s31 =	smov.u32 s4;
	[sflag:s6] =	ssyncadd.s32 $0xFFFFFC00  }
0x5a: {  	[tilespmem:s12], [sflag:$0x2] =	stream.linear.gather [hbm4b:s0+s10], $0x400, $0x38;
	[tilespmem:$0x18400] =	vst v63  }
0x5b: {  	_ =	swait.ge [sflag:s6], $0x400  }
0x5c: {  	[sflag:s6] =	ssyncset.done $0x0  }
0x5d: {  	[sflag:s6] =	ssyncadd.s32 $0xFFFFFC00  }
0x5e: {  	[tilespmem:s8], [sflag:$0x1] =	stream.indirect.gather [hbm4b:s3+s7], $0x80, s11, s7, $0xb8;
	[tilespmem:$0x18400] =	vst v63  }
0x5f: {  	_ =	swait.ge [sflag:s9], $0x4000  }
0x60: {  	[sflag:s9] =	ssyncset.done $0x0  }
0x61: {  	[sflag:s9] =	ssyncadd.s32 $0xFFFFC000  }
0x62: {  	[spmem:s2] =	stream.indirect.scatter.add.f32 [tilespmem:s8], [sflag:$0x2], $0x80, s12, s7, $0xb8;
	[tilespmem:$0x18400] =	vst v63  }
0x63: {  	_ =	swait.ge [sflag:s6], $0x4000  }
0x64: {  	[sflag:s6] =	ssyncset.done $0x0  }
0x65: {  	[sflag:s6] =	ssyncadd.s32 $0xFFFFC000  }
0x66: {  	[tilespmem:s8], [sflag:$0x1] =	stream.indirect.gather [hbm4b:s3+s7], $0x80, s15, s7, $0xb8;
	[tilespmem:$0x18400] =	vst v63  }
0x67: {  	_ =	swait.ge [sflag:s9], $0x4000  }
0x68: {  	[sflag:s9] =	ssyncset.done $0x0  }
0x69: {  	[sflag:s9] =	ssyncadd.s32 $0xFFFFC000  }
0x6a: {  	[spmem:s2] =	stream.indirect.scatter.add.f32 [tilespmem:s8], [sflag:$0x2], $0x80, s16, s7, $0xb8;
	[tilespmem:$0x18400] =	vst v63  }
0x6b: {  	_ =	swait.ge [sflag:s6], $0x4000  }
0x6c: {  	[sflag:s6] =	ssyncset.done $0x0  }
0x6d: {  	[sflag:s6] =	ssyncadd.s32 $0xFFFFC000  }
0x6e: {  	[tilespmem:s8], [sflag:$0x1] =	stream.indirect.gather [hbm4b:s3+s7], $0x80, s17, s7, $0xb8;
	[tilespmem:$0x18400] =	vst v63  }
0x6f: {  	_ =	swait.ge [sflag:s9], $0x4000  }
0x70: {  	[sflag:s9] =	ssyncset.done $0x0  }
0x71: {  	[sflag:s9] =	ssyncadd.s32 $0xFFFFC000  }
0x72: {  	[spmem:s2] =	stream.indirect.scatter.add.f32 [tilespmem:s8], [sflag:$0x2], $0x80, s18, s7, $0xb8;
	[tilespmem:$0x18400] =	vst v63  }
0x73: {  	_ =	swait.ge [sflag:s6], $0x4000  }
0x74: {  	[sflag:s6] =	ssyncset.done $0x0  }
0x75: {  	[sflag:s6] =	ssyncadd.s32 $0xFFFFC000  }
0x76: {  	[tilespmem:s8], [sflag:$0x1] =	stream.indirect.gather [hbm4b:s3+s7], $0x80, s19, s7, $0xb8;
	[tilespmem:$0x18400] =	vst v63  }
0x77: {  	_ =	swait.ge [sflag:s9], $0x4000  }
0x78: {  	[sflag:s9] =	ssyncset.done $0x0  }
0x79: {  	[sflag:s9] =	ssyncadd.s32 $0xFFFFC000  }
0x7a: {  	[spmem:s2] =	stream.indirect.scatter.add.f32 [tilespmem:s8], [sflag:$0x2], $0x80, s20, s7, $0xb8;
	[tilespmem:$0x18400] =	vst v63  }
0x7b: {  	_ =	swait.ge [sflag:s6], $0x4000  }
0x7c: {  	[sflag:s6] =	ssyncset.done $0x0  }
0x7d: {  	[sflag:s6] =	ssyncadd.s32 $0xFFFFC000  }
0x7e: {  	[tilespmem:s8], [sflag:$0x1] =	stream.indirect.gather [hbm4b:s3+s7], $0x80, s21, s7, $0xb8;
	[tilespmem:$0x18400] =	vst v63  }
0x7f: {  	_ =	swait.ge [sflag:s9], $0x4000  }
0x80: {  	[sflag:s9] =	ssyncset.done $0x0  }
0x81: {  	[sflag:s9] =	ssyncadd.s32 $0xFFFFC000  }
0x82: {  	[spmem:s2] =	stream.indirect.scatter.add.f32 [tilespmem:s8], [sflag:$0x2], $0x80, s22, s7, $0xb8;
	[tilespmem:$0x18400] =	vst v63  }
0x83: {  	_ =	swait.ge [sflag:s6], $0x4000  }
0x84: {  	[sflag:s6] =	ssyncset.done $0x0  }
0x85: {  	[sflag:s6] =	ssyncadd.s32 $0xFFFFC000  }
0x86: {  	[tilespmem:s8], [sflag:$0x1] =	stream.indirect.gather [hbm4b:s3+s7], $0x80, s23, s7, $0xb8;
	[tilespmem:$0x18400] =	vst v63  }
0x87: {  	_ =	swait.ge [sflag:s9], $0x4000  }
0x88: {  	[sflag:s9] =	ssyncset.done $0x0  }
0x89: {  	[sflag:s9] =	ssyncadd.s32 $0xFFFFC000  }
0x8a: {  	[spmem:s2] =	stream.indirect.scatter.add.f32 [tilespmem:s8], [sflag:$0x2], $0x80, s24, s7, $0xb8;
	[tilespmem:$0x18400] =	vst v63  }
0x8b: {  	_ =	swait.ge [sflag:s6], $0x4000  }
0x8c: {  	[sflag:s6] =	ssyncset.done $0x0  }
0x8d: {  	[sflag:s6] =	ssyncadd.s32 $0xFFFFC000  }
0x8e: {  	[tilespmem:s8], [sflag:$0x1] =	stream.indirect.gather [hbm4b:s3+s7], $0x80, s26, s7, $0xb8;
	[tilespmem:$0x18400] =	vst v63  }
0x8f: {  	_ =	swait.ge [sflag:s9], $0x4000  }
0x90: {  	[sflag:s9] =	ssyncset.done $0x0  }
0x91: {  	[sflag:s9] =	ssyncadd.s32 $0xFFFFC000  }
0x92: {  	[spmem:s2] =	stream.indirect.scatter.add.f32 [tilespmem:s8], [sflag:$0x2], $0x80, s28, s7, $0xb8;
	[tilespmem:$0x18400] =	vst v63  }
0x93: {  	_ =	swait.ge [sflag:s6], $0x4000  }
0x94: {  	[sflag:s6] =	ssyncset.done $0x0  }
0x95: {  	[sflag:s6] =	ssyncadd.s32 $0xFFFFC000  }
0x96: {  	[tilespmem:s8], [sflag:$0x1] =	stream.indirect.gather [hbm4b:s3+s7], $0x80, s29, s7, $0xb8;
	[tilespmem:$0x18400] =	vst v63  }
0x97: {  	_ =	swait.ge [sflag:s9], $0x4000  }
.Ltmp0:
0x98: {  	[sflag:s9] =	ssyncset.done $0x0;
	(pc) =	sbr.rel @p0 .LBB2_1-.Ltmp0, $4  }
0x99: {  	[sflag:s9] =	ssyncadd.s32 $0xFFFFC000  }
0x9a: {  	[spmem:s2] =	stream.indirect.scatter.add.f32 [tilespmem:s8], [sflag:$0x2], $0x80, s30, s7, $0xb8;
	[tilespmem:$0x18400] =	vst v63  }
0x9b: {  	_ =	swait.ge [sflag:s6], $0x4000  }
0x9c: {  	s0 =	smov.u32 s25;
	[sflag:s6] =	ssyncset.done $0x0  }
0x9d: {  	s0 =	sadd.s32 s31, s13;
	[sflag:s6] =	ssyncadd.s32 $0xFFFFC000  }
0x9e: {  	[tilespmem:s11], [sflag:$0x2] =	stream.linear.gather [hbm4b:s0+s10], $0x400, $0x38;
	[tilespmem:$0x18400] =	vst v63  }
0x9f: {  	_ =	swait.ge [sflag:s6], $0x400  }
0xa0: {  	[sflag:s6] =	ssyncset.done $0x0  }
0xa1: {  	s25 =	sadd.s32 s31, s14;
	[sflag:s6] =	ssyncadd.s32 $0xFFFFFC00  }
0xa2: {  	[tilespmem:s12], [sflag:$0x2] =	stream.linear.gather [hbm4b:s25+s10], $0x400, $0x38;
	[tilespmem:$0x18400] =	vst v63  }
0xa3: {  	_ =	swait.ge [sflag:s6], $0x400  }
0xa4: {  	[sflag:s6] =	ssyncset.done $0x0  }
0xa5: {  	[sflag:s6] =	ssyncadd.s32 $0xFFFFFC00  }
0xa6: {  	[tilespmem:s8], [sflag:$0x1] =	stream.indirect.gather [hbm4b:s3+s7], $0x80, s11, s7, $0xb8;
	[tilespmem:$0x18400] =	vst v63  }
0xa7: {  	_ =	swait.ge [sflag:s9], $0x4000  }
0xa8: {  	[sflag:s9] =	ssyncset.done $0x0  }
0xa9: {  	[sflag:s9] =	ssyncadd.s32 $0xFFFFC000  }
0xaa: {  	[spmem:s2] =	stream.indirect.scatter.add.f32 [tilespmem:s8], [sflag:$0x2], $0x80, s12, s7, $0xb8;
	[tilespmem:$0x18400] =	vst v63  }
0xab: {  	_ =	swait.ge [sflag:s6], $0x4000  }
0xac: {  	[sflag:s6] =	ssyncset.done $0x0  }
0xad: {  	[sflag:s6] =	ssyncadd.s32 $0xFFFFC000  }
0xae: {  	[tilespmem:s8], [sflag:$0x1] =	stream.indirect.gather [hbm4b:s3+s7], $0x80, s15, s7, $0xb8;
	[tilespmem:$0x18400] =	vst v63  }
0xaf: {  	_ =	swait.ge [sflag:s9], $0x4000  }
0xb0: {  	[sflag:s9] =	ssyncset.done $0x0  }
0xb1: {  	[sflag:s9] =	ssyncadd.s32 $0xFFFFC000  }
0xb2: {  	[spmem:s2] =	stream.indirect.scatter.add.f32 [tilespmem:s8], [sflag:$0x2], $0x80, s16, s7, $0xb8;
	[tilespmem:$0x18400] =	vst v63  }
0xb3: {  	_ =	swait.ge [sflag:s6], $0x4000  }
0xb4: {  	[sflag:s6] =	ssyncset.done $0x0  }
0xb5: {  	[sflag:s6] =	ssyncadd.s32 $0xFFFFC000  }
0xb6: {  	[tilespmem:s8], [sflag:$0x1] =	stream.indirect.gather [hbm4b:s3+s7], $0x80, s17, s7, $0xb8;
	[tilespmem:$0x18400] =	vst v63  }
0xb7: {  	_ =	swait.ge [sflag:s9], $0x4000  }
0xb8: {  	[sflag:s9] =	ssyncset.done $0x0  }
0xb9: {  	[sflag:s9] =	ssyncadd.s32 $0xFFFFC000  }
0xba: {  	[spmem:s2] =	stream.indirect.scatter.add.f32 [tilespmem:s8], [sflag:$0x2], $0x80, s18, s7, $0xb8;
	[tilespmem:$0x18400] =	vst v63  }
0xbb: {  	_ =	swait.ge [sflag:s6], $0x4000  }
0xbc: {  	[sflag:s6] =	ssyncset.done $0x0  }
0xbd: {  	[sflag:s6] =	ssyncadd.s32 $0xFFFFC000  }
0xbe: {  	[tilespmem:s8], [sflag:$0x1] =	stream.indirect.gather [hbm4b:s3+s7], $0x80, s19, s7, $0xb8;
	[tilespmem:$0x18400] =	vst v63  }
0xbf: {  	_ =	swait.ge [sflag:s9], $0x4000  }
0xc0: {  	[sflag:s9] =	ssyncset.done $0x0  }
0xc1: {  	[sflag:s9] =	ssyncadd.s32 $0xFFFFC000  }
0xc2: {  	[spmem:s2] =	stream.indirect.scatter.add.f32 [tilespmem:s8], [sflag:$0x2], $0x80, s20, s7, $0xb8;
	[tilespmem:$0x18400] =	vst v63  }
0xc3: {  	_ =	swait.ge [sflag:s6], $0x4000  }
0xc4: {  	[sflag:s6] =	ssyncset.done $0x0  }
0xc5: {  	[sflag:s6] =	ssyncadd.s32 $0xFFFFC000  }
0xc6: {  	[tilespmem:s8], [sflag:$0x1] =	stream.indirect.gather [hbm4b:s3+s7], $0x80, s21, s7, $0xb8;
	[tilespmem:$0x18400] =	vst v63  }
0xc7: {  	_ =	swait.ge [sflag:s9], $0x4000  }
0xc8: {  	[sflag:s9] =	ssyncset.done $0x0  }
0xc9: {  	[sflag:s9] =	ssyncadd.s32 $0xFFFFC000  }
0xca: {  	[spmem:s2] =	stream.indirect.scatter.add.f32 [tilespmem:s8], [sflag:$0x2], $0x80, s22, s7, $0xb8;
	[tilespmem:$0x18400] =	vst v63  }
0xcb: {  	_ =	swait.ge [sflag:s6], $0x4000  }
0xcc: {  	[sflag:s6] =	ssyncset.done $0x0  }
0xcd: {  	[sflag:s6] =	ssyncadd.s32 $0xFFFFC000  }
0xce: {  	[tilespmem:s8], [sflag:$0x1] =	stream.indirect.gather [hbm4b:s3+s7], $0x80, s23, s7, $0xb8;
	[tilespmem:$0x18400] =	vst v63  }
0xcf: {  	_ =	swait.ge [sflag:s9], $0x4000  }
0xd0: {  	[sflag:s9] =	ssyncset.done $0x0  }
0xd1: {  	[sflag:s9] =	ssyncadd.s32 $0xFFFFC000  }
0xd2: {  	[spmem:s2] =	stream.indirect.scatter.add.f32 [tilespmem:s8], [sflag:$0x2], $0x80, s24, s7, $0xb8;
	[tilespmem:$0x18400] =	vst v63  }
0xd3: {  	_ =	swait.ge [sflag:s6], $0x4000  }
0xd4: {  	[sflag:s6] =	ssyncset.done $0x0  }
0xd5: {  	[sflag:s6] =	ssyncadd.s32 $0xFFFFC000  }
0xd6: {  	[tilespmem:s8], [sflag:$0x1] =	stream.indirect.gather [hbm4b:s3+s7], $0x80, s26, s7, $0xb8;
	[tilespmem:$0x18400] =	vst v63  }
0xd7: {  	_ =	swait.ge [sflag:s9], $0x4000  }
0xd8: {  	[sflag:s9] =	ssyncset.done $0x0  }
0xd9: {  	[sflag:s9] =	ssyncadd.s32 $0xFFFFC000  }
0xda: {  	[spmem:s2] =	stream.indirect.scatter.add.f32 [tilespmem:s8], [sflag:$0x2], $0x80, s28, s7, $0xb8;
	[tilespmem:$0x18400] =	vst v63  }
0xdb: {  	_ =	swait.ge [sflag:s6], $0x4000  }
0xdc: {  	[sflag:s6] =	ssyncset.done $0x0  }
0xdd: {  	[sflag:s6] =	ssyncadd.s32 $0xFFFFC000  }
0xde: {  	[tilespmem:s8], [sflag:$0x1] =	stream.indirect.gather [hbm4b:s3+s7], $0x80, s29, s7, $0xb8;
	[tilespmem:$0x18400] =	vst v63  }
0xdf: {  	_ =	swait.ge [sflag:s9], $0x4000  }
0xe0: {  	[sflag:s9] =	ssyncset.done $0x0  }
0xe1: {  	[sflag:s9] =	ssyncadd.s32 $0xFFFFC000  }
0xe2: {  	[spmem:s2] =	stream.indirect.scatter.add.f32 [tilespmem:s8], [sflag:$0x2], $0x80, s30, s7, $0xb8;
	[tilespmem:$0x18400] =	vst v63  }
0xe3: {  	_ =	swait.ge [sflag:s6], $0x4000  }
0xe4: {  	s1 =	stileid.u32;
	[sflag:s6] =	ssyncset.done $0x0  }
0xe5: {  	s28 =	smul.u32 $0x2780, s1;
	[sflag:s6] =	ssyncadd.s32 $0xFFFFC000  }
0xe6: {  	s29 =	rddreg [dreg:$0x5];
	[bflag:$0x0] =	sbarrier.arrive $0xFFFF  }
0xe7: {  	s31 =	simm.s32 $0x2;
	s0 =	sadd.s32 s29, s28;
	s30 =	rddreg [dreg:$0x4]  }
0xe8: {  	[hbm:s0], [sflag:s30] =	dma.local [spmem:s5], $0x2780  }
0xe9: {  	_ =	swait.ge [sflag:s31], $0x2780  }
0xea: {  	[sflag:s31] =	ssyncset.done $0x0  }
0xeb: {  	[sflag:s31] =	ssyncadd.s32 $0xFFFFD880  }
0xec: {  	_ =	sfence.sel $0x180000  }
0xed: {  	[bflag:$0x0] =	sbarrier.arrive $0xFFFF  }
0xee: {  	_ =	strace $0x9000004D  }
0xef: {  	[bflag:$0x2] =	sbarrier.arrive $0xFFFF  }
0xf0: {  	p0 =	sne.s32 s1, $0x0;
	s0 =	rddreg [dreg:$0x3]  }
0xf1: {  	s0 =	sadd.s32 @!p0 $0x100000, s0  }
0xf2: {  	[sflag:s0] =	ssyncadd.tile.s32 @!p0 $0x1;
	_ =	shalt  }
.Lfunc_end2:
_tile_overlayer_lowered:
.L_overlay_start_2:
0xf3: {  	(tag) =	ssettag $0x2  }
0xf4: {  	s0 =	rddreg [dreg:$0x0];
	s2 =	stileid.u32  }
0xf5: {  	s1 =	rddreg [dreg:$0x1];
	p0 =	sne.s32 s2, $0x0  }
0xf6: {  	s3 =	rddreg [dreg:$0x2];
	[bflag:$0x3] =	sbarrier.arrive $0xFFFF;
	s2 =	simm.s32 @!p0 $0x1C02  }
0xf7: {  	[timem:s3], [sflag:s2] =	dma.local @!p0 [hbm:s0], s1  }
0xf8: {  	s0 =	simm.s32 @!p0 $0x2  }
0xf9: {  	_ =	swait.ge @!p0 [sflag:s0], s1  }
0xfa: {  	s1 =	ssub.s32 @!p0 $0x0, s1;
	[sflag:s0] =	ssyncset.done @!p0 $0x0  }
0xfb: {  	[sflag:s0] =	ssyncadd.s32 @!p0 s1  }
0xfc: {  	[bflag:$0x3] =	sbarrier.arrive $0xFFFF  }
0xfd: {  	_ =	shalt  }

// kernel: kernel.8.cloned.1.call-start
scs
__scs_entry_jumppad:
0x0: {  	(pc) =	sbr.rel $0x88, $3  }
0x1: {  	(tag) =	ssettag $0x0;
	lr =	simm.s32 $0x1  }
0x2: {  	[smem:$0x3F9C] =	sst lr;
	_ =	strace $0xD0000000  }
0x3: {  	_ = 	snop  }
0x4: {  	_ = 	snop  }
0x5: {  	_ = 	snop  }
0x6: {  	_ = 	snop  }
0x7: {  	_ = 	snop  }
__scs_overlays_trampoline_lowered:
0x8: {  	[smem:$0x3FAB] =	sst s0  }
0x9: {  	[smem:$0x3FAC] =	sst s1  }
0xa: {  	[smem:$0x3FAD] =	sst s2  }
0xb: {  	[smem:$0x3FAE] =	sst s3  }
0xc: {  	[smem:$0x3FAF] =	sst s4  }
0xd: {  	[smem:$0x3FB0] =	sst s5  }
0xe: {  	[smem:$0x3FB1] =	sst s6  }
0xf: {  	[smem:$0x3FB2] =	sst s7  }
0x10: {  	[smem:$0x3FB3] =	sst s8  }
0x11: {  	[smem:$0x3FB4] =	sst s9;
	s0 =	simm.s32 @!p0 $0x0  }
0x12: {  	s1 =	sld [smem:$0x3F9A];
	s0 =	simm.s32 @p0 $0x1  }
0x13: {  	[smem:$0x3FB5] =	sst s0;
	s0 =	simm.s32 @!p1 $0x0  }
0x14: {  	s2 =	sld [smem:$0x3F99];
	s0 =	simm.s32 @p1 $0x1  }
0x15: {  	[smem:$0x3FB6] =	sst s0;
	s0 =	simm.s32 @!p2 $0x0  }
0x16: {  	s3 =	sld [smem:$0x3FDB];
	s0 =	simm.s32 @p2 $0x1  }
0x17: {  	s4 =	simm.s32 $0x1BF5;
	[smem:$0x3FB8] =	sst s0  }
0x18: {  	s0 =	sld [smem:$0x3F9B];
	_ =	swait.ge [sflag:s4], $0x0  }
0x19: {  	s7 =	sld [smem:$0x3F9C]  }
0x1a: {  	s8 =	sadd.s32 $0xFFFFE003, lr  }
0x1b: {  	s9 =	sadd.s32 $0xFFFFFEF7, lr;
	s5 =	simm.s32 $0xFFFFFFFF;
	p2 =	slt.u32 s8, $0xFFFFF086  }
0x1c: {  	p1 =	slt.u32 s9, $0xF7A;
	s5 =	simm.s32 @!p2 $0x0  }
0x1d: {  	s5 =	simm.s32 @p1 $0x1;
	p0 =	seq.s32 s7, s2  }
0x1e: {  	s7 =	smul.u32 @!p0 $0xF7A, s2;
	p2 =	seq.s32 @!p0 s5, $0x0  }
0x1f: {  	s9 =	smul.u32 $0xF7A, s1;
	s8 =	simm.s32 @!p0 $0x1BF5;
	p2 =	por !p2, p0  }
0x20: {  	[sflag:s8] =	ssyncset.s32 @!p0 $0xFFFFF086;
	s6 =	sadd.s32 @!p0 s3, s7;
	s7 =	simm.s32 @!p0 $0x108  }
0x21: {  	s3 =	sadd.s32 s3, s9;
	s6 =	sadd.s32 @!p0 $0x88, s6;
	s7 =	simm.s32 @p2 $0x1082  }
0x22: {  	[simem:s7], [sflag:s8] =	dma.local @!p0 [hbm:s6], $0xF7A  }
0x23: {  	s9 =	sor.u32 $0xD0000000, s2;
	s6 =	simm.s32 $0x108;
	_ =	swait.ge @!p0 [sflag:s8], $0x0  }
0x24: {  	s3 =	sadd.s32 $0x88, s3;
	s6 =	simm.s32 @!p1 $0x1082;
	[sflag:s4] =	ssyncset.s32 $0xFFFFF086  }
0x25: {  	[simem:s6], [sflag:s4] =	dma.local [hbm:s3], $0xF7A  }
0x26: {  	[smem:$0x3F9C] =	sst s1;
	(tag) =	ssettag s2;
	_ =	strace s9  }
0x27: {  	s1 =	sld [smem:$0x3FAC]  }
0x28: {  	s2 =	sld [smem:$0x3FAD]  }
0x29: {  	s4 =	sld [smem:$0x3FAF]  }
0x2a: {  	p0 =	seq.s32 s5, $0x0;
	s5 =	sld [smem:$0x3FB0]  }
0x2b: {  	s6 =	sld [smem:$0x3FB1]  }
0x2c: {  	s7 =	sld [smem:$0x3FB2]  }
0x2d: {  	s3 =	simm.s32 $0x108;
	s8 =	sld [smem:$0x3FB3]  }
0x2e: {  	s3 =	simm.s32 @!p0 $0x1082;
	s9 =	sld [smem:$0x3FB4]  }
0x2f: {  	lr =	sadd.s32 s0, s3;
	s0 =	sld [smem:$0x3FAB]  }
0x30: {  	s3 =	sld [smem:$0x3FAE]  }
0x31: {  	[smem:$0x3FB7] =	sst s10  }
0x32: {  	s10 =	sld [smem:$0x3FB5];
	_ =	sdelay $0x3  }
0x33: {  	p0 =	seq.s32 s10, $0x1;
	s10 =	sld [smem:$0x3FB7];
	_ =	sdelay $0x3  }
0x34: {  	[smem:$0x3FB7] =	sst s10  }
0x35: {  	s10 =	sld [smem:$0x3FB6];
	_ =	sdelay $0x3  }
0x36: {  	p1 =	seq.s32 s10, $0x1;
	s10 =	sld [smem:$0x3FB7];
	_ =	sdelay $0x3  }
0x37: {  	[smem:$0x3FB7] =	sst s10  }
0x38: {  	s10 =	sld [smem:$0x3FB8]  }
0x39: {  	_ = 	snop;
	(pc) =	sbr.ind lr, $3  }
0x3a: {  	_ = 	snop  }
0x3b: {  	_ = 	snop  }
0x3c: {  	p2 =	seq.s32 s10, $0x1;
	s10 =	sld [smem:$0x3FB7]  }
0x3d: {  	_ =	shalt  }
0x3e: {  	_ =	shalt  }
0x3f: {  	_ =	shalt  }
0x40: {  	_ =	shalt  }
0x41: {  	_ =	shalt  }
0x42: {  	_ =	shalt  }
0x43: {  	_ =	shalt  }
0x44: {  	_ =	shalt  }
0x45: {  	_ =	shalt  }
0x46: {  	_ =	shalt  }
0x47: {  	_ =	shalt  }
0x48: {  	_ =	shalt  }
0x49: {  	_ =	shalt  }
0x4a: {  	_ =	shalt  }
0x4b: {  	_ =	shalt  }
0x4c: {  	_ =	shalt  }
0x4d: {  	_ =	shalt  }
0x4e: {  	_ =	shalt  }
0x4f: {  	_ =	shalt  }
0x50: {  	_ =	shalt  }
0x51: {  	_ =	shalt  }
0x52: {  	_ =	shalt  }
0x53: {  	_ =	shalt  }
0x54: {  	_ =	shalt  }
0x55: {  	_ =	shalt  }
0x56: {  	_ =	shalt  }
0x57: {  	_ =	shalt  }
0x58: {  	_ =	shalt  }
0x59: {  	_ =	shalt  }
0x5a: {  	_ =	shalt  }
0x5b: {  	_ =	shalt  }
0x5c: {  	_ =	shalt  }
0x5d: {  	_ =	shalt  }
0x5e: {  	_ =	shalt  }
0x5f: {  	_ =	shalt  }
0x60: {  	_ =	shalt  }
0x61: {  	_ =	shalt  }
0x62: {  	_ =	shalt  }
0x63: {  	_ =	shalt  }
0x64: {  	_ =	shalt  }
0x65: {  	_ =	shalt  }
0x66: {  	_ =	shalt  }
0x67: {  	_ =	shalt  }
0x68: {  	_ =	shalt  }
0x69: {  	_ =	shalt  }
0x6a: {  	_ =	shalt  }
0x6b: {  	_ =	shalt  }
0x6c: {  	_ =	shalt  }
0x6d: {  	_ =	shalt  }
0x6e: {  	_ =	shalt  }
0x6f: {  	_ =	shalt  }
0x70: {  	_ =	shalt  }
0x71: {  	_ =	shalt  }
0x72: {  	_ =	shalt  }
0x73: {  	_ =	shalt  }
0x74: {  	_ =	shalt  }
0x75: {  	_ =	shalt  }
0x76: {  	_ =	shalt  }
0x77: {  	_ =	shalt  }
0x78: {  	_ =	shalt  }
0x79: {  	_ =	shalt  }
0x7a: {  	_ =	shalt  }
0x7b: {  	_ =	shalt  }
0x7c: {  	_ =	shalt  }
0x7d: {  	_ =	shalt  }
0x7e: {  	_ =	shalt  }
0x7f: {  	_ =	shalt  }
0x80: {  	_ =	shalt  }
0x81: {  	_ =	shalt  }
0x82: {  	_ =	shalt  }
0x83: {  	_ =	shalt  }
0x84: {  	_ =	shalt  }
0x85: {  	_ =	shalt  }
0x86: {  	_ =	shalt  }
0x87: {  	_ =	shalt  }
.Lfunc_end0:
.L_simem_size_0:
called_computation_lowered:
.L_overlay_start_0:
0x88: {  	s2 =	sld [smem:$0x3FD9]  }
0x89: {  	s3 =	sld [smem:$0x3FFE];
	_ =	sdelay $0x1  }
0x8a: {  	s1 =	srdreg.scid  }
0x8b: {  	s0 =	sand.u32 $0x1, s1  }
0x8c: {  	s17 =	sshll.u32 s0, $0xA;
	s2 =	sadd.s32 s3, s2  }
0x8d: {  	s2 =	sadd.s32 s2, s17  }
0x8e: {  	[smem:$0x3FC3] =	sst s2  }
0x8f: {  	_ = 	snop  }
0x90: {  	s2 =	sld [smem:$0x3FD0];
	(tm) =	ssettm $0x1  }
0x91: {  	s18 =	sld [smem:$0x3FFB];
	_ =	sdelay $0x3  }
0x92: {  	_ =	strace s18  }
0x93: {  	s3 =	sld [smem:$0x3FFC];
	_ =	sdelay $0x3  }
0x94: {  	_ =	strace s3  }
0x95: {  	s3 =	sld [smem:$0x3FFD];
	_ =	sdelay $0x3  }
0x96: {  	_ =	strace s3  }
0x97: {  	_ =	strace $0x8FFFFFFF  }
0x98: {  	s19 =	sld [smem:$0x3FDB];
	_ =	sdelay $0x1  }
0x99: {  	s4 =	simm.s32 $_scs_section_size  }
0x9a: {  	s5 =	simm.s32 $_size__tile_overlayer_lowered;
	s6 =	simm.s32 $_tile_overlayer_lowered  }
0x9b: {  	s22 =	simm.s32 $0x1BFF;
	s21 =	sshll.u32 s6, $0x1;
	s3 =	sadd.s32 s4, s19  }
0x9c: {  	s7 =	simm.s32 $0x0;
	s20 =	sshll.u32 s5, $0x1;
	s5 =	sadd.s32 s21, s3  }
0x9d: {  	[timem:s7], [sflag:s22] =	dma.local [hbm:s5], s20  }
0x9e: {  	_ =	swait.ge [sflag:s22], s20  }
0x9f: {  	s4 =	ssub.s32 $0x0, s20;
	[sflag:s22] =	ssyncset.done $0x0  }
0xa0: {  	[sflag:s22] =	ssyncadd.s32 s4;
	_ =	sdelay $0x1  }
0xa1: {  	s23 =	simm.s32 $0x1B8B  }
0xa2: {  	_ =	swait.ge [sflag:s23], $0x1  }
0xa3: {  	[sflag:s23] =	ssyncset.done $0x0  }
0xa4: {  	s25 =	simm.s32 $0x1B8E;
	s24 =	sld [smem:$0x3FFE];
	[sflag:s23] =	ssyncadd.s32 $0xFFFFFFFF  }
0xa5: {  	s26 =	simm.s32 $execute0_lowered;
	[smem:$0x3FD2] =	sst s25  }
0xa6: {  	s5 =	sshll.u32 s26, $0x1;
	_ =	strace $0x80000046;
	[dreg:$0x1] =	wrdreg $0xFFFFFFFF  }
0xa7: {  	s28 =	simm.s32 $_size_execute0_lowered;
	s3 =	sadd.s32 s3, s5;
	[dreg:$0x0] =	wrdreg $0x0  }
0xa8: {  	s5 =	sshll.u32 s28, $0x1;
	[dreg:$0x2] =	wrdreg s3  }
0xa9: {  	[dreg:$0x3] =	wrdreg s5  }
0xaa: {  	[dreg:$0x4] =	wrdreg $0xC0  }
0xab: {  	_ =	task [dreg:s7], $0x5FFFF  }
0xac: {  	[dreg:$0x1] =	wrdreg $0xFFFFFFFF  }
0xad: {  	[dreg:$0x0] =	wrdreg $0x60  }
0xae: {  	[dreg:$0x2] =	wrdreg s24  }
0xaf: {  	[dreg:$0x3] =	wrdreg s2  }
0xb0: {  	[dreg:$0x4] =	wrdreg $0x0  }
0xb1: {  	[dreg:$0x5] =	wrdreg $0x9  }
0xb2: {  	_ =	task.clear_ibuf [dreg:s7], $0x6FFFF;
	_ =	strace $0x90000046  }
0xb3: {  	s29 =	simm.s32 $0x9;
	_ =	strace $0x80000048  }
0xb4: {  	_ =	swait.ge [sflag:s29], $0x1  }
0xb5: {  	[sflag:s29] =	ssyncadd.s32 $0xFFFFFFFF  }
0xb6: {  	_ =	strace $0x90000048  }
0xb7: {  	_ =	sfence  }
0xb8: {  	s30 =	sld [smem:$0x0];
	_ =	sdelay $0x2  }
0xb9: {  	s31 =	sshll.u32 s1, $0xD;
	s1 =	sshrl.u32 s1, $0x2  }
0xba: {  	s3 =	sand.u32 $0x4000, s31;
	s1 =	sadd.s32 s1, s30  }
0xbb: {  	s0 =	sor.u32 s3, s0;
	s1 =	sshll.u32 s1, $0x11  }
0xbc: {  	s0 =	sor.u32 s1, s0  }
0xbd: {  	s0 =	sadd.s32 $0x8F2B, s0  }
0xbe: {  	[sflag:s0] =	ssyncadd.remote.s32 $0x1  }
0xbf: {  	_ =	sfence.sel $0xFFFF  }
0xc0: {  	[dreg:$0x0] =	wrdreg $0xFFFFFFFF;
	(pc) =	sbr.abs _section_cstart, $3  }
0xc1: {  	[dreg:$0x1] =	wrdreg $0xFFFFFFFF  }
0xc2: {  	_ =	task.clear_ibuf [dreg:s7], $0x2FFFF;
	_ =	strace $0x9FFFFFFF  }
0xc3: {  	(tm) =	ssettm $0x7FFFFFFF  }
tec
execute0_lowered:
.L_overlay_start_1:
0x0: {  	(tag) =	ssettag $0x1  }
0x1: {  	s7 =	rddreg [dreg:$0x0]  }
0x2: {  	s2 =	rddreg [dreg:$0x1]  }
0x3: {  	s0 =	srdreg.scid;
	s3 =	rddreg [dreg:$0x2]  }
0x4: {  	s1 =	stileid.u32;
	s4 =	simm.s32 $0x0;
	s14 =	simm.s32 $0x80  }
0x5: {  	s15 =	simm.s32 $0x0;
	s6 =	sand.u32 $0x1, s0;
	s0 =	rddreg [dreg:$0x3]  }
0x6: {  	[smem:$0x7FF] =	sst s4;
	s10 =	smul.u32 $0x4F000, s1;
	s30 =	sshll.u32 s1, $0x6  }
0x7: {  	s12 =	smul.u32 $0x2780, s1;
	s5 =	sshll.u32 s6, $0x4;
	s8 =	ssub.s32 $0x2, s6  }
0x8: {  	_ =	strace $0x80000047;
	p0 =	seq.s32 s6, $0x1;
	s6 =	sor.u32 $0x1C01, s30  }
0x9: {  	s5 =	sor.u32 s1, s5;
	s29 =	sshrl.u32 s10, $0x2;
	s10 =	simm.s32 $0x37400  }
0xa: {  	s9 =	sshrl.u32 s8, $0x1;
	s5 =	smul.u32 $0x500, s5;
	s10 =	simm.s32 @!p0 $0xFC00  }
0xb: {  	s8 =	ssub.s32 s8, s9;
	s13 =	sadd.s32 s29, s3;
	s31 =	sadd.s32 s10, s7  }
0xc: {  	s8 =	smax.u32 s8, $0x1;
	s10 =	sshrl.u32 s13, $0x3;
	s13 =	simm.s32 $0x13C00  }
0xd: {  	s11 =	sadd.s32 s5, s7;
	s5 =	sadd.s32 $0xD400, s7;
	s9 =	sadd.s32 s31, s12  }
0xe: {  	s12 =	simm.s32 $0x16400;
	s7 =	sadd.s32 $0x3400, s11;
	s11 =	simm.s32 $0x1  }
.LBB2_1:
0xf: {  	[spmem:s10], [sflag:s6] =	dma.local [hbm:s5], $0x2780  }
0x10: {  	_ =	swait.ge [sflag:s11], $0x2780  }
0x11: {  	[sflag:s11] =	ssyncset.done $0x0  }
0x12: {  	[sflag:s11] =	ssyncadd.s32 $0xFFFFD880  }
0x13: {  	[tilespmem:s12], [sflag:$0x1] =	stream.linear.gather [hbm4b:s2+s4], $0x4000, $0x38;
	[tilespmem:$0x1A400] =	vst v63  }
0x14: {  	_ =	swait.ge [sflag:s11], $0x4000  }
0x15: {  	[sflag:s11] =	ssyncset.done $0x0  }
0x16: {  	[sflag:s11] =	ssyncadd.s32 $0xFFFFC000  }
0x17: {  	[tilespmem:s13], [sflag:$0x1] =	stream.linear.gather [hbm4b:s7+s4], $0x2800, $0x38;
	[tilespmem:$0x1A400] =	vst v63  }
0x18: {  	_ =	swait.ge [sflag:s11], $0x2800  }
0x19: {  	[sflag:s11] =	ssyncset.done $0x0  }
0x1a: {  	[sflag:s11] =	ssyncadd.s32 $0xFFFFD800  }
0x1b: {  	s16 =	simm.s32 $0x13C00;
	[bflag:$0x0] =	sbarrier.arrive $0xFFFF  }
0x1c: {  	[spmem:s3] =	stream.indirect.scatter.add.f32 [tilespmem:s12], [sflag:$0x1], $0x80, s16, s14, $0xb8;
	[tilespmem:$0x1A400] =	vst v63  }
0x1d: {  	s16 =	simm.s32 $0x200;
	_ =	swait.ge [sflag:s11], $0x4000  }
.LBB2_2:
0x1e: {  	s17 =	sshra.s32 s16, $0x2;
	[sflag:s11] =	ssyncset.done $0x0;
	p0 =	sne.s32 s16, $0x9E00  }
.Ltmp0:
0x1f: {  	s17 =	sadd.s32 $0x13C00, s17;
	[sflag:s11] =	ssyncadd.s32 $0xFFFFC000;
	(pc) =	sbr.rel @p0 .LBB2_2-.Ltmp0, $3  }
0x20: {  	[spmem:s3] =	stream.indirect.scatter.add.f32 [tilespmem:s12], [sflag:$0x1], $0x80, s17, s14, $0xb8;
	[tilespmem:$0x1A400] =	vst v63  }
0x21: {  	s16 =	sadd.s32 $0x200, s16;
	_ =	sdelay $0x1  }
0x22: {  	_ =	swait.ge [sflag:s11], $0x4000  }
0x23: {  	[sflag:s11] =	ssyncset.done $0x0;
	s15 =	sadd.s32 $0x1, s15  }
0x24: {  	[sflag:s11] =	ssyncadd.s32 $0xFFFFC000;
	p0 =	sne.s32 s15, s8  }
.Ltmp1:
0x25: {  	[bflag:$0x0] =	sbarrier.arrive $0xFFFF;
	(pc) =	sbr.rel @p0 .LBB2_1-.Ltmp1, $4  }
0x26: {  	[hbm:s9], [sflag:s6] =	dma.local [spmem:s10], $0x2780  }
0x27: {  	_ =	swait.ge [sflag:s11], $0x2780  }
0x28: {  	[sflag:s11] =	ssyncset.done $0x0  }
0x29: {  	[sflag:s11] =	ssyncadd.s32 $0xFFFFD880  }
0x2a: {  	_ =	sfence.sel $0x180000  }
0x2b: {  	[bflag:$0x0] =	sbarrier.arrive $0xFFFF  }
0x2c: {  	p0 =	sne.s32 s1, $0x0;
	_ =	strace $0x90000047  }
0x2d: {  	s0 =	sadd.s32 @!p0 $0x100000, s0;
	[bflag:$0x2] =	sbarrier.arrive $0xFFFF  }
0x2e: {  	[sflag:s0] =	ssyncadd.tile.s32 @!p0 $0x1;
	_ =	shalt  }
.Lfunc_end2:
_tile_overlayer_lowered:
.L_overlay_start_2:
0x2f: {  	(tag) =	ssettag $0x2  }
0x30: {  	s0 =	rddreg [dreg:$0x0];
	s2 =	stileid.u32  }
0x31: {  	s1 =	rddreg [dreg:$0x1];
	p0 =	sne.s32 s2, $0x0  }
0x32: {  	s3 =	rddreg [dreg:$0x2];
	[bflag:$0x3] =	sbarrier.arrive $0xFFFF;
	s2 =	simm.s32 @!p0 $0x1C01  }
0x33: {  	[timem:s3], [sflag:s2] =	dma.local @!p0 [hbm:s0], s1  }
0x34: {  	s0 =	simm.s32 @!p0 $0x1  }
0x35: {  	_ =	swait.ge @!p0 [sflag:s0], s1  }
0x36: {  	s1 =	ssub.s32 @!p0 $0x0, s1;
	[sflag:s0] =	ssyncset.done @!p0 $0x0  }
0x37: {  	[sflag:s0] =	ssyncadd.s32 @!p0 s1  }
0x38: {  	[bflag:$0x3] =	sbarrier.arrive $0xFFFF  }
0x39: {  	_ =	shalt  }

</sc_bundles>
